<compile_context>
chip_gen: v7x
topology: tpu7x:2x2x1
jax: 0.10.2.dev20260603
libtpu: 0.0.44.dev20260713+nightly
codegen_flags: <defaults>
</compile_context>

<pallas_src>
import functools

import jax
import jax.numpy as jnp
from jax import lax
from jax.experimental import pallas as pl
from jax.experimental.pallas import tpu as pltpu
from jax.experimental.pallas import tpu_sc as plsc

HIST = 50
BATCH = 16384
D_MODEL = 64
VOCAB = 1000000


@functools.lru_cache(maxsize=None)
def _make_colgather():
    info = plsc.get_sparse_core_info()
    num_cores, num_subcores = info.num_cores, info.num_subcores
    e_per_core = D_MODEL // num_cores
    b_per_tile = BATCH // num_subcores
    mesh = plsc.VectorSubcoreMesh(core_axis_name="c", subcore_axis_name="s")

    @functools.partial(
        pl.kernel,
        mesh=mesh,
        out_type=jax.ShapeDtypeStruct((HIST, D_MODEL, BATCH), jnp.float32),
        scratch_types=[
            [pltpu.VMEM((b_per_tile,), jnp.int32) for _ in range(3)],
            [pltpu.VMEM((b_per_tile,), jnp.float32) for _ in range(2)],
            pltpu.VMEM_SHARED((VOCAB,), jnp.float32),
            pltpu.VMEM_SHARED((VOCAB,), jnp.float32),
            [pltpu.SemaphoreType.DMA for _ in range(3)],
            [pltpu.SemaphoreType.DMA for _ in range(2)],
            [pltpu.SemaphoreType.DMA for _ in range(2)],
            pltpu.SemaphoreType.DMA,
            pltpu.SemaphoreType.DMA,
        ],
    )
    def colgather(wt_hbm, xt_hbm, out_hbm, idx_ring, dsts, sp_a, sp_b,
                  isems, gsems, wsems, ssem_a, ssem_b):
        cid = lax.axis_index("c")
        sid = lax.axis_index("s")
        b0 = sid * b_per_tile
        e_base = cid * e_per_core

        dummy_i32 = xt_hbm.at[0, pl.ds(0, b_per_tile)]
        dummy_f32 = wt_hbm.at[0, pl.ds(0, b_per_tile)]

        def wait_idx(r):
            pltpu.make_async_copy(dummy_i32, idx_ring[r], isems[r]).wait()

        def fire_idxload(m, r):
            pltpu.make_async_copy(xt_hbm.at[m, pl.ds(b0, b_per_tile)],
                                  idx_ring[r], isems[r]).start()

        def reclaim(x, guard):
            def w():
                pltpu.make_async_copy(
                    dsts[x], out_hbm.at[0, 0, pl.ds(0, b_per_tile)],
                    wsems[x]).wait()
            if guard is None:
                w()
            else:
                pl.when(guard)(w)

        def fire_gather(sp, r, x):
            pltpu.make_async_copy(sp.at[idx_ring[r]], dsts[x],
                                  gsems[x]).start()

        def finish_batch(m_prev, e, y):
            pltpu.make_async_copy(dummy_f32, dsts[y], gsems[y]).wait()
            pltpu.make_async_copy(
                dsts[y], out_hbm.at[m_prev, e, pl.ds(b0, b_per_tile)],
                wsems[y]).start()

        @pl.when(sid == 0)
        def _():
            pltpu.make_async_copy(wt_hbm.at[e_base, :], sp_a, ssem_a).start()
            pltpu.make_async_copy(wt_hbm.at[e_base + 1, :], sp_b,
                                  ssem_b).start()

        def do_e(i, e, sp, ssem, k):
            fire_idxload(0, 0)
            fire_idxload(1, 1)
            fire_idxload(2, 2)

            @pl.when(sid == 0)
            def _():
                pltpu.make_async_copy(wt_hbm.at[e, :], sp, ssem).wait()

            pass

            def t_loop(t, c):
                for j in range(6):
                    m = 6 * t + j
                    r = j % 3
                    x = j % 2
                    guard = jnp.logical_or(i > 0, t > 0) if j < 2 else None
                    wait_idx(r)
                    reclaim(x, guard)
                    fire_gather(sp, r, x)
                    r2 = (j + 2) % 3
                    if j == 0:
                        @pl.when(t > 0)
                        def _(m=m, r2=r2):
                            finish_batch(m - 1, e, 1)
                            fire_idxload(m + 2, r2)
                    else:
                        finish_batch(m - 1, e, 1 - x)

                        @pl.when(m + 2 < HIST)
                        def _(m=m, r2=r2):
                            fire_idxload(m + 2, r2)
                return c

            lax.fori_loop(0, HIST // 6, t_loop, 0)

            for m, r, x in ((48, 0, 0), (49, 1, 1)):
                wait_idx(r)
                reclaim(x, None)
                fire_gather(sp, r, x)
                finish_batch(m - 1, e, 1 - x)
            finish_batch(HIST - 1, e, 1)

            pass

            @pl.when(jnp.logical_and(sid == 0, k < e_per_core // 2 - 1))
            def _():
                pltpu.make_async_copy(wt_hbm.at[e + 2, :], sp, ssem).start()

        def e_pair(k, carry):
            do_e(2 * k, e_base + 2 * k, sp_a, ssem_a, k)
            do_e(2 * k + 1, e_base + 2 * k + 1, sp_b, ssem_b, k)
            return carry

        lax.fori_loop(0, e_per_core // 2, e_pair, 0)

        reclaim(0, None)
        reclaim(1, None)

    return colgather


def kernel(x, embed_weight):
    xt = x.T.astype(jnp.int32)
    wt = embed_weight.T
    out3 = _make_colgather()(wt, xt)
    return jnp.transpose(out3, (2, 0, 1))

# --- scband reference (transcript-rebuilt; emitter-appended) ---
"""Pipeline reference for scband-embedder-50337016709450 (READ-ONLY COPY).

The authoritative reference and input builder live on the scoring server;
editing this copy changes nothing except your own understanding.
"""

import jax, jax.numpy as jnp
import numpy as np

VOCAB = 1000000
D_MODEL = 64
BATCH = 16384
HIST = 50

def setup_inputs(seed: int = 0) -> dict:
    key = jax.random.key(seed)
    k_idx, k_w = jax.random.split(key)
    x = jax.random.randint(k_idx, (BATCH, HIST), 0, VOCAB, dtype=jnp.int64 if jax.config.jax_enable_x64 else jnp.int32)
    # nn.Embedding default init: N(0, 1)
    embed_weight = jax.random.normal(k_w, (VOCAB, D_MODEL), dtype=jnp.float32)
    return {"x": x, "embed_weight": embed_weight}

def reference(x, embed_weight):
    # Embedder.forward: return self.embed(x)
    return jnp.take(embed_weight, x, axis=0)

if __name__ == "__main__":
    import jax
    _d = setup_inputs()
    print(jax.jit(kernel)(*tuple(_d.values())))

</pallas_src>

<mosaic_0001>
#map = affine_map<(d0, d1) -> (0, 0)>
#map1 = affine_map<(d0, d1) -> (0, 0, 0)>
module attributes {stable_mosaic.version = 14 : i64} {
  func.func @colgather(%arg0: i32, %arg1: i32, %arg2: memref<64x1000000xf32, #tpu.memory_space<hbm>>, %arg3: memref<50x16384xi32, #tpu.memory_space<hbm>>, %arg4: memref<50x64x16384xf32, #tpu.memory_space<hbm>>, %arg5: memref<1024xi32, #tpu.memory_space<vmem>>, %arg6: memref<1024xi32, #tpu.memory_space<vmem>>, %arg7: memref<1024xi32, #tpu.memory_space<vmem>>, %arg8: memref<1024xf32, #tpu.memory_space<vmem>>, %arg9: memref<1024xf32, #tpu.memory_space<vmem>>, %arg10: memref<1000000xf32, #tpu.memory_space<vmem_shared>>, %arg11: memref<1000000xf32, #tpu.memory_space<vmem_shared>>, %arg12: memref<!tpu.dma_semaphore, #tpu.memory_space<semaphore_mem>>, %arg13: memref<!tpu.dma_semaphore, #tpu.memory_space<semaphore_mem>>, %arg14: memref<!tpu.dma_semaphore, #tpu.memory_space<semaphore_mem>>, %arg15: memref<!tpu.dma_semaphore, #tpu.memory_space<semaphore_mem>>, %arg16: memref<!tpu.dma_semaphore, #tpu.memory_space<semaphore_mem>>, %arg17: memref<!tpu.dma_semaphore, #tpu.memory_space<semaphore_mem>>, %arg18: memref<!tpu.dma_semaphore, #tpu.memory_space<semaphore_mem>>, %arg19: memref<!tpu.dma_semaphore, #tpu.memory_space<semaphore_mem>>, %arg20: memref<!tpu.dma_semaphore, #tpu.memory_space<semaphore_mem>>) attributes {dimension_semantics = [#tpu.dimension_semantics<core_parallel>, #tpu.dimension_semantics<subcore_parallel>], iteration_bounds = array<i64: 2, 16>, scalar_prefetch = 0 : i64, scratch_operands = 16 : i64, tpu.core_type = #tpu.core_type<sc_vector_subcore>, window_params = [{transform_indices = #map}, {transform_indices = #map}, {transform_indices = #map1}]} {
    %mul3A = arith.constant 1024 : i32
    %mul3A_0 = arith.muli %arg1, %mul3A : i32
    %mul3A_1 = arith.constant 32 : i32
    %mul3A_2 = arith.muli %arg0, %mul3A_1 : i32
    %eq3A = arith.constant 0 : i32
    %eq3A_3 = arith.cmpi eq, %arg1, %eq3A : i32
    %convert_element_type3A = arith.extui %eq3A_3 : i1 to i32
    %cond3A = arith.constant 0 : i32
    %cond3A_4 = arith.cmpi ne, %convert_element_type3A, %cond3A : i32
    scf.if %cond3A_4 {
      %dma_start3A = arith.constant 0 : i32
      %dma_start3A_27 = tpu.memref_slice %arg2[%mul3A_2, %dma_start3A] : memref<64x1000000xf32, #tpu.memory_space<hbm>> -> memref<1x1000000xf32, #tpu.memory_space<hbm>>
      %dma_start3A_28 = tpu.memref_squeeze %dma_start3A_27 : memref<1x1000000xf32, #tpu.memory_space<hbm>> -> memref<1000000xf32, #tpu.memory_space<hbm>>
      tpu.enqueue_dma source(%dma_start3A_28 : memref<1000000xf32, #tpu.memory_space<hbm>>) target(%arg10 : memref<1000000xf32, #tpu.memory_space<vmem_shared>>) target_semaphore(%arg19 : memref<!tpu.dma_semaphore, #tpu.memory_space<semaphore_mem>>)
      %add3A = arith.constant 1 : i32
      %add3A_29 = arith.addi %mul3A_2, %add3A : i32
      %dma_start3A_30 = arith.constant 0 : i32
      %dma_start3A_31 = tpu.memref_slice %arg2[%add3A_29, %dma_start3A_30] : memref<64x1000000xf32, #tpu.memory_space<hbm>> -> memref<1x1000000xf32, #tpu.memory_space<hbm>>
      %dma_start3A_32 = tpu.memref_squeeze %dma_start3A_31 : memref<1x1000000xf32, #tpu.memory_space<hbm>> -> memref<1000000xf32, #tpu.memory_space<hbm>>
      tpu.enqueue_dma source(%dma_start3A_32 : memref<1000000xf32, #tpu.memory_space<hbm>>) target(%arg11 : memref<1000000xf32, #tpu.memory_space<vmem_shared>>) target_semaphore(%arg20 : memref<!tpu.dma_semaphore, #tpu.memory_space<semaphore_mem>>)
    } else {
    }
    %scan3A = arith.constant 0 : i32
    %scan3A_5 = arith.constant 0 : i32
    %scan3A_6 = arith.constant 0 : i32
    %scan3A_7 = arith.constant 0 : i32
    %scan3A_8 = arith.constant 16 : i32
    %scan3A_9 = arith.addi %scan3A_7, %scan3A_8 : i32
    %scan3A_10 = arith.constant 1 : i32
    scf.for %scan3A_27 = %scan3A_7 to %scan3A_9 step %scan3A_10  : i32 {
      %mul3A_28 = arith.constant 2 : i32
      %mul3A_29 = arith.muli %mul3A_28, %scan3A_27 : i32
      %mul3A_30 = arith.constant 2 : i32
      %mul3A_31 = arith.muli %mul3A_30, %scan3A_27 : i32
      %add3A = arith.addi %mul3A_2, %mul3A_31 : i32
      %dma_start3A = arith.constant 0 : i32
      %dma_start3A_32 = tpu.memref_slice %arg3[%dma_start3A, %mul3A_0] : memref<50x16384xi32, #tpu.memory_space<hbm>> -> memref<1x1024xi32, #tpu.memory_space<hbm>>
      %dma_start3A_33 = tpu.memref_squeeze %dma_start3A_32 : memref<1x1024xi32, #tpu.memory_space<hbm>> -> memref<1024xi32, #tpu.memory_space<hbm>>
      %dma_start3A_34 = tpu.memref_slice %arg3[%dma_start3A, %mul3A_0] : memref<50x16384xi32, #tpu.memory_space<hbm>> -> memref<1x1024xi32, #tpu.memory_space<hbm>>
      %dma_start3A_35 = tpu.memref_squeeze %dma_start3A_34 : memref<1x1024xi32, #tpu.memory_space<hbm>> -> memref<1024xi32, #tpu.memory_space<hbm>>
      tpu.enqueue_dma source(%dma_start3A_35 : memref<1024xi32, #tpu.memory_space<hbm>>) target(%arg5 : memref<1024xi32, #tpu.memory_space<vmem>>) target_semaphore(%arg12 : memref<!tpu.dma_semaphore, #tpu.memory_space<semaphore_mem>>)
      %dma_start3A_36 = arith.constant 1 : i32
      %dma_start3A_37 = tpu.memref_slice %arg3[%dma_start3A_36, %mul3A_0] : memref<50x16384xi32, #tpu.memory_space<hbm>> -> memref<1x1024xi32, #tpu.memory_space<hbm>>
      %dma_start3A_38 = tpu.memref_squeeze %dma_start3A_37 : memref<1x1024xi32, #tpu.memory_space<hbm>> -> memref<1024xi32, #tpu.memory_space<hbm>>
      %dma_start3A_39 = tpu.memref_slice %arg3[%dma_start3A_36, %mul3A_0] : memref<50x16384xi32, #tpu.memory_space<hbm>> -> memref<1x1024xi32, #tpu.memory_space<hbm>>
      %dma_start3A_40 = tpu.memref_squeeze %dma_start3A_39 : memref<1x1024xi32, #tpu.memory_space<hbm>> -> memref<1024xi32, #tpu.memory_space<hbm>>
      tpu.enqueue_dma source(%dma_start3A_40 : memref<1024xi32, #tpu.memory_space<hbm>>) target(%arg6 : memref<1024xi32, #tpu.memory_space<vmem>>) target_semaphore(%arg13 : memref<!tpu.dma_semaphore, #tpu.memory_space<semaphore_mem>>)
      %dma_start3A_41 = arith.constant 2 : i32
      %dma_start3A_42 = tpu.memref_slice %arg3[%dma_start3A_41, %mul3A_0] : memref<50x16384xi32, #tpu.memory_space<hbm>> -> memref<1x1024xi32, #tpu.memory_space<hbm>>
      %dma_start3A_43 = tpu.memref_squeeze %dma_start3A_42 : memref<1x1024xi32, #tpu.memory_space<hbm>> -> memref<1024xi32, #tpu.memory_space<hbm>>
      %dma_start3A_44 = tpu.memref_slice %arg3[%dma_start3A_41, %mul3A_0] : memref<50x16384xi32, #tpu.memory_space<hbm>> -> memref<1x1024xi32, #tpu.memory_space<hbm>>
      %dma_start3A_45 = tpu.memref_squeeze %dma_start3A_44 : memref<1x1024xi32, #tpu.memory_space<hbm>> -> memref<1024xi32, #tpu.memory_space<hbm>>
      tpu.enqueue_dma source(%dma_start3A_45 : memref<1024xi32, #tpu.memory_space<hbm>>) target(%arg7 : memref<1024xi32, #tpu.memory_space<vmem>>) target_semaphore(%arg14 : memref<!tpu.dma_semaphore, #tpu.memory_space<semaphore_mem>>)
      %eq3A_46 = arith.constant 0 : i32
      %eq3A_47 = arith.cmpi eq, %arg1, %eq3A_46 : i32
      %convert_element_type3A_48 = arith.extui %eq3A_47 : i1 to i32
      %cond3A_49 = arith.constant 0 : i32
      %cond3A_50 = arith.cmpi ne, %convert_element_type3A_48, %cond3A_49 : i32
      scf.if %cond3A_50 {
        %dma_wait3A_236 = arith.constant 0 : i32
        %dma_wait3A_237 = tpu.memref_slice %arg2[%add3A, %dma_wait3A_236] : memref<64x1000000xf32, #tpu.memory_space<hbm>> -> memref<1x1000000xf32, #tpu.memory_space<hbm>>
        %dma_wait3A_238 = tpu.memref_squeeze %dma_wait3A_237 : memref<1x1000000xf32, #tpu.memory_space<hbm>> -> memref<1000000xf32, #tpu.memory_space<hbm>>
        tpu.wait_dma2 semaphore(%arg19 : memref<!tpu.dma_semaphore, #tpu.memory_space<semaphore_mem>>) src(%dma_wait3A_238 : memref<1000000xf32, #tpu.memory_space<hbm>>) dst(%arg10 : memref<1000000xf32, #tpu.memory_space<vmem_shared>>)
      } else {
      }
      %scan3A_51 = arith.constant 0 : i32
      %scan3A_52 = arith.constant 0 : i32
      %scan3A_53 = arith.constant 8 : i32
      %scan3A_54 = arith.addi %scan3A_52, %scan3A_53 : i32
      %scan3A_55 = arith.constant 1 : i32
      scf.for %scan3A_236 = %scan3A_52 to %scan3A_54 step %scan3A_55  : i32 {
        %mul3A_237 = arith.constant 6 : i32
        %mul3A_238 = arith.muli %mul3A_237, %scan3A_236 : i32
        %add3A_239 = arith.constant 0 : i32
        %add3A_240 = arith.addi %mul3A_238, %add3A_239 : i32
        %gt3A = arith.constant 0 : i32
        %gt3A_241 = arith.cmpi sgt, %mul3A_29, %gt3A : i32
        %gt3A_242 = arith.constant 0 : i32
        %gt3A_243 = arith.cmpi sgt, %scan3A_236, %gt3A_242 : i32
        %or3A = arith.ori %gt3A_241, %gt3A_243 : i1
        %dma_wait3A_244 = arith.constant 0 : i32
        %dma_wait3A_245 = tpu.memref_slice %arg3[%scan3A_5, %dma_wait3A_244] : memref<50x16384xi32, #tpu.memory_space<hbm>> -> memref<1x1024xi32, #tpu.memory_space<hbm>>
        %dma_wait3A_246 = tpu.memref_squeeze %dma_wait3A_245 : memref<1x1024xi32, #tpu.memory_space<hbm>> -> memref<1024xi32, #tpu.memory_space<hbm>>
        %dma_wait3A_247 = arith.constant 0 : i32
        %dma_wait3A_248 = tpu.memref_slice %arg3[%scan3A_5, %dma_wait3A_247] : memref<50x16384xi32, #tpu.memory_space<hbm>> -> memref<1x1024xi32, #tpu.memory_space<hbm>>
        %dma_wait3A_249 = tpu.memref_squeeze %dma_wait3A_248 : memref<1x1024xi32, #tpu.memory_space<hbm>> -> memref<1024xi32, #tpu.memory_space<hbm>>
        tpu.wait_dma2 semaphore(%arg12 : memref<!tpu.dma_semaphore, #tpu.memory_space<semaphore_mem>>) src(%dma_wait3A_249 : memref<1024xi32, #tpu.memory_space<hbm>>) dst(%arg5 : memref<1024xi32, #tpu.memory_space<vmem>>)
        %convert_element_type3A_250 = arith.extui %or3A : i1 to i32
        %cond3A_251 = arith.constant 0 : i32
        %cond3A_252 = arith.cmpi ne, %convert_element_type3A_250, %cond3A_251 : i32
        scf.if %cond3A_252 {
          %dma_wait3A_454 = arith.constant 0 : i32
          %dma_wait3A_455 = arith.constant 0 : i32
          %dma_wait3A_456 = arith.constant 0 : i32
          %dma_wait3A_457 = tpu.memref_slice %arg4[%dma_wait3A_454, %dma_wait3A_455, %dma_wait3A_456] : memref<50x64x16384xf32, #tpu.memory_space<hbm>> -> memref<1x1x1024xf32, #tpu.memory_space<hbm>>
          %dma_wait3A_458 = tpu.memref_squeeze %dma_wait3A_457 : memref<1x1x1024xf32, #tpu.memory_space<hbm>> -> memref<1024xf32, #tpu.memory_space<hbm>>
          %dma_wait3A_459 = arith.constant 0 : i32
          %dma_wait3A_460 = tpu.memref_slice %arg4[%dma_wait3A_454, %dma_wait3A_455, %dma_wait3A_459] : memref<50x64x16384xf32, #tpu.memory_space<hbm>> -> memref<1x1x1024xf32, #tpu.memory_space<hbm>>
          %dma_wait3A_461 = tpu.memref_squeeze %dma_wait3A_460 : memref<1x1x1024xf32, #tpu.memory_space<hbm>> -> memref<1024xf32, #tpu.memory_space<hbm>>
          tpu.wait_dma2 semaphore(%arg17 : memref<!tpu.dma_semaphore, #tpu.memory_space<semaphore_mem>>) src(%arg8 : memref<1024xf32, #tpu.memory_space<vmem>>) dst(%dma_wait3A_461 : memref<1024xf32, #tpu.memory_space<hbm>>)
        } else {
        }
        %dma_start3A_253 = arith.constant 0 : i32
        %dma_start3A_254 = tpu.memref_slice %arg10[%dma_start3A_253] : memref<1000000xf32, #tpu.memory_space<vmem_shared>> -> memref<1000000xf32, #tpu.memory_space<vmem_shared>>
        tpu.enqueue_indirect_dma source(%dma_start3A_254 : memref<1000000xf32, #tpu.memory_space<vmem_shared>>) target(%arg8 : memref<1024xf32, #tpu.memory_space<vmem>>) offsets(%arg5 : memref<1024xi32, #tpu.memory_space<vmem>>) semaphore(%arg15 : memref<!tpu.dma_semaphore, #tpu.memory_space<semaphore_mem>>)
        %gt3A_255 = arith.constant 0 : i32
        %gt3A_256 = arith.cmpi sgt, %scan3A_236, %gt3A_255 : i32
        %convert_element_type3A_257 = arith.extui %gt3A_256 : i1 to i32
        %cond3A_258 = arith.constant 0 : i32
        %cond3A_259 = arith.cmpi ne, %convert_element_type3A_257, %cond3A_258 : i32
        scf.if %cond3A_259 {
          %sub3A_454 = arith.constant 1 : i32
          %sub3A_455 = arith.subi %add3A_240, %sub3A_454 : i32
          %dma_wait3A_456 = arith.constant 0 : i32
          %dma_wait3A_457 = tpu.memref_slice %arg2[%scan3A_6, %dma_wait3A_456] : memref<64x1000000xf32, #tpu.memory_space<hbm>> -> memref<1x1024xf32, #tpu.memory_space<hbm>>
          %dma_wait3A_458 = tpu.memref_squeeze %dma_wait3A_457 : memref<1x1024xf32, #tpu.memory_space<hbm>> -> memref<1024xf32, #tpu.memory_space<hbm>>
          %dma_wait3A_459 = arith.constant 0 : i32
          %dma_wait3A_460 = tpu.memref_slice %arg2[%scan3A_6, %dma_wait3A_459] : memref<64x1000000xf32, #tpu.memory_space<hbm>> -> memref<1x1024xf32, #tpu.memory_space<hbm>>
          %dma_wait3A_461 = tpu.memref_squeeze %dma_wait3A_460 : memref<1x1024xf32, #tpu.memory_space<hbm>> -> memref<1024xf32, #tpu.memory_space<hbm>>
          tpu.wait_dma2 semaphore(%arg16 : memref<!tpu.dma_semaphore, #tpu.memory_space<semaphore_mem>>) src(%dma_wait3A_461 : memref<1024xf32, #tpu.memory_space<hbm>>) dst(%arg9 : memref<1024xf32, #tpu.memory_space<vmem>>)
          %dma_start3A_462 = tpu.memref_slice %arg4[%sub3A_455, %add3A, %mul3A_0] : memref<50x64x16384xf32, #tpu.memory_space<hbm>> -> memref<1x1x1024xf32, #tpu.memory_space<hbm>>
          %dma_start3A_463 = tpu.memref_squeeze %dma_start3A_462 : memref<1x1x1024xf32, #tpu.memory_space<hbm>> -> memref<1024xf32, #tpu.memory_space<hbm>>
          %dma_start3A_464 = tpu.memref_slice %arg4[%sub3A_455, %add3A, %mul3A_0] : memref<50x64x16384xf32, #tpu.memory_space<hbm>> -> memref<1x1x1024xf32, #tpu.memory_space<hbm>>
          %dma_start3A_465 = tpu.memref_squeeze %dma_start3A_464 : memref<1x1x1024xf32, #tpu.memory_space<hbm>> -> memref<1024xf32, #tpu.memory_space<hbm>>
          tpu.enqueue_dma source(%arg9 : memref<1024xf32, #tpu.memory_space<vmem>>) target(%dma_start3A_465 : memref<1024xf32, #tpu.memory_space<hbm>>) target_semaphore(%arg18 : memref<!tpu.dma_semaphore, #tpu.memory_space<semaphore_mem>>)
          %add3A_466 = arith.constant 2 : i32
          %add3A_467 = arith.addi %add3A_240, %add3A_466 : i32
          %dma_start3A_468 = tpu.memref_slice %arg3[%add3A_467, %mul3A_0] : memref<50x16384xi32, #tpu.memory_space<hbm>> -> memref<1x1024xi32, #tpu.memory_space<hbm>>
          %dma_start3A_469 = tpu.memref_squeeze %dma_start3A_468 : memref<1x1024xi32, #tpu.memory_space<hbm>> -> memref<1024xi32, #tpu.memory_space<hbm>>
          %dma_start3A_470 = tpu.memref_slice %arg3[%add3A_467, %mul3A_0] : memref<50x16384xi32, #tpu.memory_space<hbm>> -> memref<1x1024xi32, #tpu.memory_space<hbm>>
          %dma_start3A_471 = tpu.memref_squeeze %dma_start3A_470 : memref<1x1024xi32, #tpu.memory_space<hbm>> -> memref<1024xi32, #tpu.memory_space<hbm>>
          tpu.enqueue_dma source(%dma_start3A_471 : memref<1024xi32, #tpu.memory_space<hbm>>) target(%arg7 : memref<1024xi32, #tpu.memory_space<vmem>>) target_semaphore(%arg14 : memref<!tpu.dma_semaphore, #tpu.memory_space<semaphore_mem>>)
        } else {
        }
        %mul3A_260 = arith.constant 6 : i32
        %mul3A_261 = arith.muli %mul3A_260, %scan3A_236 : i32
        %add3A_262 = arith.constant 1 : i32
        %add3A_263 = arith.addi %mul3A_261, %add3A_262 : i32
        %gt3A_264 = arith.constant 0 : i32
        %gt3A_265 = arith.cmpi sgt, %mul3A_29, %gt3A_264 : i32
        %gt3A_266 = arith.constant 0 : i32
        %gt3A_267 = arith.cmpi sgt, %scan3A_236, %gt3A_266 : i32
        %or3A_268 = arith.ori %gt3A_265, %gt3A_267 : i1
        %dma_wait3A_269 = arith.constant 0 : i32
        %dma_wait3A_270 = tpu.memref_slice %arg3[%scan3A_5, %dma_wait3A_269] : memref<50x16384xi32, #tpu.memory_space<hbm>> -> memref<1x1024xi32, #tpu.memory_space<hbm>>
        %dma_wait3A_271 = tpu.memref_squeeze %dma_wait3A_270 : memref<1x1024xi32, #tpu.memory_space<hbm>> -> memref<1024xi32, #tpu.memory_space<hbm>>
        %dma_wait3A_272 = arith.constant 0 : i32
        %dma_wait3A_273 = tpu.memref_slice %arg3[%scan3A_5, %dma_wait3A_272] : memref<50x16384xi32, #tpu.memory_space<hbm>> -> memref<1x1024xi32, #tpu.memory_space<hbm>>
        %dma_wait3A_274 = tpu.memref_squeeze %dma_wait3A_273 : memref<1x1024xi32, #tpu.memory_space<hbm>> -> memref<1024xi32, #tpu.memory_space<hbm>>
        tpu.wait_dma2 semaphore(%arg13 : memref<!tpu.dma_semaphore, #tpu.memory_space<semaphore_mem>>) src(%dma_wait3A_274 : memref<1024xi32, #tpu.memory_space<hbm>>) dst(%arg6 : memref<1024xi32, #tpu.memory_space<vmem>>)
        %convert_element_type3A_275 = arith.extui %or3A_268 : i1 to i32
        %cond3A_276 = arith.constant 0 : i32
        %cond3A_277 = arith.cmpi ne, %convert_element_type3A_275, %cond3A_276 : i32
        scf.if %cond3A_277 {
          %dma_wait3A_454 = arith.constant 0 : i32
          %dma_wait3A_455 = arith.constant 0 : i32
          %dma_wait3A_456 = arith.constant 0 : i32
          %dma_wait3A_457 = tpu.memref_slice %arg4[%dma_wait3A_454, %dma_wait3A_455, %dma_wait3A_456] : memref<50x64x16384xf32, #tpu.memory_space<hbm>> -> memref<1x1x1024xf32, #tpu.memory_space<hbm>>
          %dma_wait3A_458 = tpu.memref_squeeze %dma_wait3A_457 : memref<1x1x1024xf32, #tpu.memory_space<hbm>> -> memref<1024xf32, #tpu.memory_space<hbm>>
          %dma_wait3A_459 = arith.constant 0 : i32
          %dma_wait3A_460 = tpu.memref_slice %arg4[%dma_wait3A_454, %dma_wait3A_455, %dma_wait3A_459] : memref<50x64x16384xf32, #tpu.memory_space<hbm>> -> memref<1x1x1024xf32, #tpu.memory_space<hbm>>
          %dma_wait3A_461 = tpu.memref_squeeze %dma_wait3A_460 : memref<1x1x1024xf32, #tpu.memory_space<hbm>> -> memref<1024xf32, #tpu.memory_space<hbm>>
          tpu.wait_dma2 semaphore(%arg18 : memref<!tpu.dma_semaphore, #tpu.memory_space<semaphore_mem>>) src(%arg9 : memref<1024xf32, #tpu.memory_space<vmem>>) dst(%dma_wait3A_461 : memref<1024xf32, #tpu.memory_space<hbm>>)
        } else {
        }
        %dma_start3A_278 = arith.constant 0 : i32
        %dma_start3A_279 = tpu.memref_slice %arg10[%dma_start3A_278] : memref<1000000xf32, #tpu.memory_space<vmem_shared>> -> memref<1000000xf32, #tpu.memory_space<vmem_shared>>
        tpu.enqueue_indirect_dma source(%dma_start3A_279 : memref<1000000xf32, #tpu.memory_space<vmem_shared>>) target(%arg9 : memref<1024xf32, #tpu.memory_space<vmem>>) offsets(%arg6 : memref<1024xi32, #tpu.memory_space<vmem>>) semaphore(%arg16 : memref<!tpu.dma_semaphore, #tpu.memory_space<semaphore_mem>>)
        %sub3A = arith.constant 1 : i32
        %sub3A_280 = arith.subi %add3A_263, %sub3A : i32
        %dma_wait3A_281 = arith.constant 0 : i32
        %dma_wait3A_282 = tpu.memref_slice %arg2[%scan3A_6, %dma_wait3A_281] : memref<64x1000000xf32, #tpu.memory_space<hbm>> -> memref<1x1024xf32, #tpu.memory_space<hbm>>
        %dma_wait3A_283 = tpu.memref_squeeze %dma_wait3A_282 : memref<1x1024xf32, #tpu.memory_space<hbm>> -> memref<1024xf32, #tpu.memory_space<hbm>>
        %dma_wait3A_284 = arith.constant 0 : i32
        %dma_wait3A_285 = tpu.memref_slice %arg2[%scan3A_6, %dma_wait3A_284] : memref<64x1000000xf32, #tpu.memory_space<hbm>> -> memref<1x1024xf32, #tpu.memory_space<hbm>>
        %dma_wait3A_286 = tpu.memref_squeeze %dma_wait3A_285 : memref<1x1024xf32, #tpu.memory_space<hbm>> -> memref<1024xf32, #tpu.memory_space<hbm>>
        tpu.wait_dma2 semaphore(%arg15 : memref<!tpu.dma_semaphore, #tpu.memory_space<semaphore_mem>>) src(%dma_wait3A_286 : memref<1024xf32, #tpu.memory_space<hbm>>) dst(%arg8 : memref<1024xf32, #tpu.memory_space<vmem>>)
        %dma_start3A_287 = tpu.memref_slice %arg4[%sub3A_280, %add3A, %mul3A_0] : memref<50x64x16384xf32, #tpu.memory_space<hbm>> -> memref<1x1x1024xf32, #tpu.memory_space<hbm>>
        %dma_start3A_288 = tpu.memref_squeeze %dma_start3A_287 : memref<1x1x1024xf32, #tpu.memory_space<hbm>> -> memref<1024xf32, #tpu.memory_space<hbm>>
        %dma_start3A_289 = tpu.memref_slice %arg4[%sub3A_280, %add3A, %mul3A_0] : memref<50x64x16384xf32, #tpu.memory_space<hbm>> -> memref<1x1x1024xf32, #tpu.memory_space<hbm>>
        %dma_start3A_290 = tpu.memref_squeeze %dma_start3A_289 : memref<1x1x1024xf32, #tpu.memory_space<hbm>> -> memref<1024xf32, #tpu.memory_space<hbm>>
        tpu.enqueue_dma source(%arg8 : memref<1024xf32, #tpu.memory_space<vmem>>) target(%dma_start3A_290 : memref<1024xf32, #tpu.memory_space<hbm>>) target_semaphore(%arg17 : memref<!tpu.dma_semaphore, #tpu.memory_space<semaphore_mem>>)
        %add3A_291 = arith.constant 2 : i32
        %add3A_292 = arith.addi %add3A_263, %add3A_291 : i32
        %lt3A_293 = arith.constant 50 : i32
        %lt3A_294 = arith.cmpi slt, %add3A_292, %lt3A_293 : i32
        %convert_element_type3A_295 = arith.extui %lt3A_294 : i1 to i32
        %cond3A_296 = arith.constant 0 : i32
        %cond3A_297 = arith.cmpi ne, %convert_element_type3A_295, %cond3A_296 : i32
        scf.if %cond3A_297 {
          %add3A_454 = arith.constant 2 : i32
          %add3A_455 = arith.addi %add3A_263, %add3A_454 : i32
          %dma_start3A_456 = tpu.memref_slice %arg3[%add3A_455, %mul3A_0] : memref<50x16384xi32, #tpu.memory_space<hbm>> -> memref<1x1024xi32, #tpu.memory_space<hbm>>
          %dma_start3A_457 = tpu.memref_squeeze %dma_start3A_456 : memref<1x1024xi32, #tpu.memory_space<hbm>> -> memref<1024xi32, #tpu.memory_space<hbm>>
          %dma_start3A_458 = tpu.memref_slice %arg3[%add3A_455, %mul3A_0] : memref<50x16384xi32, #tpu.memory_space<hbm>> -> memref<1x1024xi32, #tpu.memory_space<hbm>>
          %dma_start3A_459 = tpu.memref_squeeze %dma_start3A_458 : memref<1x1024xi32, #tpu.memory_space<hbm>> -> memref<1024xi32, #tpu.memory_space<hbm>>
          tpu.enqueue_dma source(%dma_start3A_459 : memref<1024xi32, #tpu.memory_space<hbm>>) target(%arg5 : memref<1024xi32, #tpu.memory_space<vmem>>) target_semaphore(%arg12 : memref<!tpu.dma_semaphore, #tpu.memory_space<semaphore_mem>>)
        } else {
        }
        %mul3A_298 = arith.constant 6 : i32
        %mul3A_299 = arith.muli %mul3A_298, %scan3A_236 : i32
        %add3A_300 = arith.constant 2 : i32
        %add3A_301 = arith.addi %mul3A_299, %add3A_300 : i32
        %dma_wait3A_302 = arith.constant 0 : i32
        %dma_wait3A_303 = tpu.memref_slice %arg3[%scan3A_5, %dma_wait3A_302] : memref<50x16384xi32, #tpu.memory_space<hbm>> -> memref<1x1024xi32, #tpu.memory_space<hbm>>
        %dma_wait3A_304 = tpu.memref_squeeze %dma_wait3A_303 : memref<1x1024xi32, #tpu.memory_space<hbm>> -> memref<1024xi32, #tpu.memory_space<hbm>>
        %dma_wait3A_305 = arith.constant 0 : i32
        %dma_wait3A_306 = tpu.memref_slice %arg3[%scan3A_5, %dma_wait3A_305] : memref<50x16384xi32, #tpu.memory_space<hbm>> -> memref<1x1024xi32, #tpu.memory_space<hbm>>
        %dma_wait3A_307 = tpu.memref_squeeze %dma_wait3A_306 : memref<1x1024xi32, #tpu.memory_space<hbm>> -> memref<1024xi32, #tpu.memory_space<hbm>>
        tpu.wait_dma2 semaphore(%arg14 : memref<!tpu.dma_semaphore, #tpu.memory_space<semaphore_mem>>) src(%dma_wait3A_307 : memref<1024xi32, #tpu.memory_space<hbm>>) dst(%arg7 : memref<1024xi32, #tpu.memory_space<vmem>>)
        %dma_wait3A_308 = arith.constant 0 : i32
        %dma_wait3A_309 = arith.constant 0 : i32
        %dma_wait3A_310 = arith.constant 0 : i32
        %dma_wait3A_311 = tpu.memref_slice %arg4[%dma_wait3A_308, %dma_wait3A_309, %dma_wait3A_310] : memref<50x64x16384xf32, #tpu.memory_space<hbm>> -> memref<1x1x1024xf32, #tpu.memory_space<hbm>>
        %dma_wait3A_312 = tpu.memref_squeeze %dma_wait3A_311 : memref<1x1x1024xf32, #tpu.memory_space<hbm>> -> memref<1024xf32, #tpu.memory_space<hbm>>
        %dma_wait3A_313 = arith.constant 0 : i32
        %dma_wait3A_314 = tpu.memref_slice %arg4[%dma_wait3A_308, %dma_wait3A_309, %dma_wait3A_313] : memref<50x64x16384xf32, #tpu.memory_space<hbm>> -> memref<1x1x1024xf32, #tpu.memory_space<hbm>>
        %dma_wait3A_315 = tpu.memref_squeeze %dma_wait3A_314 : memref<1x1x1024xf32, #tpu.memory_space<hbm>> -> memref<1024xf32, #tpu.memory_space<hbm>>
        tpu.wait_dma2 semaphore(%arg17 : memref<!tpu.dma_semaphore, #tpu.memory_space<semaphore_mem>>) src(%arg8 : memref<1024xf32, #tpu.memory_space<vmem>>) dst(%dma_wait3A_315 : memref<1024xf32, #tpu.memory_space<hbm>>)
        %dma_start3A_316 = arith.constant 0 : i32
        %dma_start3A_317 = tpu.memref_slice %arg10[%dma_start3A_316] : memref<1000000xf32, #tpu.memory_space<vmem_shared>> -> memref<1000000xf32, #tpu.memory_space<vmem_shared>>
        tpu.enqueue_indirect_dma source(%dma_start3A_317 : memref<1000000xf32, #tpu.memory_space<vmem_shared>>) target(%arg8 : memref<1024xf32, #tpu.memory_space<vmem>>) offsets(%arg7 : memref<1024xi32, #tpu.memory_space<vmem>>) semaphore(%arg15 : memref<!tpu.dma_semaphore, #tpu.memory_space<semaphore_mem>>)
        %sub3A_318 = arith.constant 1 : i32
        %sub3A_319 = arith.subi %add3A_301, %sub3A_318 : i32
        %dma_wait3A_320 = arith.constant 0 : i32
        %dma_wait3A_321 = tpu.memref_slice %arg2[%scan3A_6, %dma_wait3A_320] : memref<64x1000000xf32, #tpu.memory_space<hbm>> -> memref<1x1024xf32, #tpu.memory_space<hbm>>
        %dma_wait3A_322 = tpu.memref_squeeze %dma_wait3A_321 : memref<1x1024xf32, #tpu.memory_space<hbm>> -> memref<1024xf32, #tpu.memory_space<hbm>>
        %dma_wait3A_323 = arith.constant 0 : i32
        %dma_wait3A_324 = tpu.memref_slice %arg2[%scan3A_6, %dma_wait3A_323] : memref<64x1000000xf32, #tpu.memory_space<hbm>> -> memref<1x1024xf32, #tpu.memory_space<hbm>>
        %dma_wait3A_325 = tpu.memref_squeeze %dma_wait3A_324 : memref<1x1024xf32, #tpu.memory_space<hbm>> -> memref<1024xf32, #tpu.memory_space<hbm>>
        tpu.wait_dma2 semaphore(%arg16 : memref<!tpu.dma_semaphore, #tpu.memory_space<semaphore_mem>>) src(%dma_wait3A_325 : memref<1024xf32, #tpu.memory_space<hbm>>) dst(%arg9 : memref<1024xf32, #tpu.memory_space<vmem>>)
        %dma_start3A_326 = tpu.memref_slice %arg4[%sub3A_319, %add3A, %mul3A_0] : memref<50x64x16384xf32, #tpu.memory_space<hbm>> -> memref<1x1x1024xf32, #tpu.memory_space<hbm>>
        %dma_start3A_327 = tpu.memref_squeeze %dma_start3A_326 : memref<1x1x1024xf32, #tpu.memory_space<hbm>> -> memref<1024xf32, #tpu.memory_space<hbm>>
        %dma_start3A_328 = tpu.memref_slice %arg4[%sub3A_319, %add3A, %mul3A_0] : memref<50x64x16384xf32, #tpu.memory_space<hbm>> -> memref<1x1x1024xf32, #tpu.memory_space<hbm>>
        %dma_start3A_329 = tpu.memref_squeeze %dma_start3A_328 : memref<1x1x1024xf32, #tpu.memory_space<hbm>> -> memref<1024xf32, #tpu.memory_space<hbm>>
        tpu.enqueue_dma source(%arg9 : memref<1024xf32, #tpu.memory_space<vmem>>) target(%dma_start3A_329 : memref<1024xf32, #tpu.memory_space<hbm>>) target_semaphore(%arg18 : memref<!tpu.dma_semaphore, #tpu.memory_space<semaphore_mem>>)
        %add3A_330 = arith.constant 2 : i32
        %add3A_331 = arith.addi %add3A_301, %add3A_330 : i32
        %lt3A_332 = arith.constant 50 : i32
        %lt3A_333 = arith.cmpi slt, %add3A_331, %lt3A_332 : i32
        %convert_element_type3A_334 = arith.extui %lt3A_333 : i1 to i32
        %cond3A_335 = arith.constant 0 : i32
        %cond3A_336 = arith.cmpi ne, %convert_element_type3A_334, %cond3A_335 : i32
        scf.if %cond3A_336 {
          %add3A_454 = arith.constant 2 : i32
          %add3A_455 = arith.addi %add3A_301, %add3A_454 : i32
          %dma_start3A_456 = tpu.memref_slice %arg3[%add3A_455, %mul3A_0] : memref<50x16384xi32, #tpu.memory_space<hbm>> -> memref<1x1024xi32, #tpu.memory_space<hbm>>
          %dma_start3A_457 = tpu.memref_squeeze %dma_start3A_456 : memref<1x1024xi32, #tpu.memory_space<hbm>> -> memref<1024xi32, #tpu.memory_space<hbm>>
          %dma_start3A_458 = tpu.memref_slice %arg3[%add3A_455, %mul3A_0] : memref<50x16384xi32, #tpu.memory_space<hbm>> -> memref<1x1024xi32, #tpu.memory_space<hbm>>
          %dma_start3A_459 = tpu.memref_squeeze %dma_start3A_458 : memref<1x1024xi32, #tpu.memory_space<hbm>> -> memref<1024xi32, #tpu.memory_space<hbm>>
          tpu.enqueue_dma source(%dma_start3A_459 : memref<1024xi32, #tpu.memory_space<hbm>>) target(%arg6 : memref<1024xi32, #tpu.memory_space<vmem>>) target_semaphore(%arg13 : memref<!tpu.dma_semaphore, #tpu.memory_space<semaphore_mem>>)
        } else {
        }
        %mul3A_337 = arith.constant 6 : i32
        %mul3A_338 = arith.muli %mul3A_337, %scan3A_236 : i32
        %add3A_339 = arith.constant 3 : i32
        %add3A_340 = arith.addi %mul3A_338, %add3A_339 : i32
        %dma_wait3A_341 = arith.constant 0 : i32
        %dma_wait3A_342 = tpu.memref_slice %arg3[%scan3A_5, %dma_wait3A_341] : memref<50x16384xi32, #tpu.memory_space<hbm>> -> memref<1x1024xi32, #tpu.memory_space<hbm>>
        %dma_wait3A_343 = tpu.memref_squeeze %dma_wait3A_342 : memref<1x1024xi32, #tpu.memory_space<hbm>> -> memref<1024xi32, #tpu.memory_space<hbm>>
        %dma_wait3A_344 = arith.constant 0 : i32
        %dma_wait3A_345 = tpu.memref_slice %arg3[%scan3A_5, %dma_wait3A_344] : memref<50x16384xi32, #tpu.memory_space<hbm>> -> memref<1x1024xi32, #tpu.memory_space<hbm>>
        %dma_wait3A_346 = tpu.memref_squeeze %dma_wait3A_345 : memref<1x1024xi32, #tpu.memory_space<hbm>> -> memref<1024xi32, #tpu.memory_space<hbm>>
        tpu.wait_dma2 semaphore(%arg12 : memref<!tpu.dma_semaphore, #tpu.memory_space<semaphore_mem>>) src(%dma_wait3A_346 : memref<1024xi32, #tpu.memory_space<hbm>>) dst(%arg5 : memref<1024xi32, #tpu.memory_space<vmem>>)
        %dma_wait3A_347 = arith.constant 0 : i32
        %dma_wait3A_348 = arith.constant 0 : i32
        %dma_wait3A_349 = arith.constant 0 : i32
        %dma_wait3A_350 = tpu.memref_slice %arg4[%dma_wait3A_347, %dma_wait3A_348, %dma_wait3A_349] : memref<50x64x16384xf32, #tpu.memory_space<hbm>> -> memref<1x1x1024xf32, #tpu.memory_space<hbm>>
        %dma_wait3A_351 = tpu.memref_squeeze %dma_wait3A_350 : memref<1x1x1024xf32, #tpu.memory_space<hbm>> -> memref<1024xf32, #tpu.memory_space<hbm>>
        %dma_wait3A_352 = arith.constant 0 : i32
        %dma_wait3A_353 = tpu.memref_slice %arg4[%dma_wait3A_347, %dma_wait3A_348, %dma_wait3A_352] : memref<50x64x16384xf32, #tpu.memory_space<hbm>> -> memref<1x1x1024xf32, #tpu.memory_space<hbm>>
        %dma_wait3A_354 = tpu.memref_squeeze %dma_wait3A_353 : memref<1x1x1024xf32, #tpu.memory_space<hbm>> -> memref<1024xf32, #tpu.memory_space<hbm>>
        tpu.wait_dma2 semaphore(%arg18 : memref<!tpu.dma_semaphore, #tpu.memory_space<semaphore_mem>>) src(%arg9 : memref<1024xf32, #tpu.memory_space<vmem>>) dst(%dma_wait3A_354 : memref<1024xf32, #tpu.memory_space<hbm>>)
        %dma_start3A_355 = arith.constant 0 : i32
        %dma_start3A_356 = tpu.memref_slice %arg10[%dma_start3A_355] : memref<1000000xf32, #tpu.memory_space<vmem_shared>> -> memref<1000000xf32, #tpu.memory_space<vmem_shared>>
        tpu.enqueue_indirect_dma source(%dma_start3A_356 : memref<1000000xf32, #tpu.memory_space<vmem_shared>>) target(%arg9 : memref<1024xf32, #tpu.memory_space<vmem>>) offsets(%arg5 : memref<1024xi32, #tpu.memory_space<vmem>>) semaphore(%arg16 : memref<!tpu.dma_semaphore, #tpu.memory_space<semaphore_mem>>)
        %sub3A_357 = arith.constant 1 : i32
        %sub3A_358 = arith.subi %add3A_340, %sub3A_357 : i32
        %dma_wait3A_359 = arith.constant 0 : i32
        %dma_wait3A_360 = tpu.memref_slice %arg2[%scan3A_6, %dma_wait3A_359] : memref<64x1000000xf32, #tpu.memory_space<hbm>> -> memref<1x1024xf32, #tpu.memory_space<hbm>>
        %dma_wait3A_361 = tpu.memref_squeeze %dma_wait3A_360 : memref<1x1024xf32, #tpu.memory_space<hbm>> -> memref<1024xf32, #tpu.memory_space<hbm>>
        %dma_wait3A_362 = arith.constant 0 : i32
        %dma_wait3A_363 = tpu.memref_slice %arg2[%scan3A_6, %dma_wait3A_362] : memref<64x1000000xf32, #tpu.memory_space<hbm>> -> memref<1x1024xf32, #tpu.memory_space<hbm>>
        %dma_wait3A_364 = tpu.memref_squeeze %dma_wait3A_363 : memref<1x1024xf32, #tpu.memory_space<hbm>> -> memref<1024xf32, #tpu.memory_space<hbm>>
        tpu.wait_dma2 semaphore(%arg15 : memref<!tpu.dma_semaphore, #tpu.memory_space<semaphore_mem>>) src(%dma_wait3A_364 : memref<1024xf32, #tpu.memory_space<hbm>>) dst(%arg8 : memref<1024xf32, #tpu.memory_space<vmem>>)
        %dma_start3A_365 = tpu.memref_slice %arg4[%sub3A_358, %add3A, %mul3A_0] : memref<50x64x16384xf32, #tpu.memory_space<hbm>> -> memref<1x1x1024xf32, #tpu.memory_space<hbm>>
        %dma_start3A_366 = tpu.memref_squeeze %dma_start3A_365 : memref<1x1x1024xf32, #tpu.memory_space<hbm>> -> memref<1024xf32, #tpu.memory_space<hbm>>
        %dma_start3A_367 = tpu.memref_slice %arg4[%sub3A_358, %add3A, %mul3A_0] : memref<50x64x16384xf32, #tpu.memory_space<hbm>> -> memref<1x1x1024xf32, #tpu.memory_space<hbm>>
        %dma_start3A_368 = tpu.memref_squeeze %dma_start3A_367 : memref<1x1x1024xf32, #tpu.memory_space<hbm>> -> memref<1024xf32, #tpu.memory_space<hbm>>
        tpu.enqueue_dma source(%arg8 : memref<1024xf32, #tpu.memory_space<vmem>>) target(%dma_start3A_368 : memref<1024xf32, #tpu.memory_space<hbm>>) target_semaphore(%arg17 : memref<!tpu.dma_semaphore, #tpu.memory_space<semaphore_mem>>)
        %add3A_369 = arith.constant 2 : i32
        %add3A_370 = arith.addi %add3A_340, %add3A_369 : i32
        %lt3A_371 = arith.constant 50 : i32
        %lt3A_372 = arith.cmpi slt, %add3A_370, %lt3A_371 : i32
        %convert_element_type3A_373 = arith.extui %lt3A_372 : i1 to i32
        %cond3A_374 = arith.constant 0 : i32
        %cond3A_375 = arith.cmpi ne, %convert_element_type3A_373, %cond3A_374 : i32
        scf.if %cond3A_375 {
          %add3A_454 = arith.constant 2 : i32
          %add3A_455 = arith.addi %add3A_340, %add3A_454 : i32
          %dma_start3A_456 = tpu.memref_slice %arg3[%add3A_455, %mul3A_0] : memref<50x16384xi32, #tpu.memory_space<hbm>> -> memref<1x1024xi32, #tpu.memory_space<hbm>>
          %dma_start3A_457 = tpu.memref_squeeze %dma_start3A_456 : memref<1x1024xi32, #tpu.memory_space<hbm>> -> memref<1024xi32, #tpu.memory_space<hbm>>
          %dma_start3A_458 = tpu.memref_slice %arg3[%add3A_455, %mul3A_0] : memref<50x16384xi32, #tpu.memory_space<hbm>> -> memref<1x1024xi32, #tpu.memory_space<hbm>>
          %dma_start3A_459 = tpu.memref_squeeze %dma_start3A_458 : memref<1x1024xi32, #tpu.memory_space<hbm>> -> memref<1024xi32, #tpu.memory_space<hbm>>
          tpu.enqueue_dma source(%dma_start3A_459 : memref<1024xi32, #tpu.memory_space<hbm>>) target(%arg7 : memref<1024xi32, #tpu.memory_space<vmem>>) target_semaphore(%arg14 : memref<!tpu.dma_semaphore, #tpu.memory_space<semaphore_mem>>)
        } else {
        }
        %mul3A_376 = arith.constant 6 : i32
        %mul3A_377 = arith.muli %mul3A_376, %scan3A_236 : i32
        %add3A_378 = arith.constant 4 : i32
        %add3A_379 = arith.addi %mul3A_377, %add3A_378 : i32
        %dma_wait3A_380 = arith.constant 0 : i32
        %dma_wait3A_381 = tpu.memref_slice %arg3[%scan3A_5, %dma_wait3A_380] : memref<50x16384xi32, #tpu.memory_space<hbm>> -> memref<1x1024xi32, #tpu.memory_space<hbm>>
        %dma_wait3A_382 = tpu.memref_squeeze %dma_wait3A_381 : memref<1x1024xi32, #tpu.memory_space<hbm>> -> memref<1024xi32, #tpu.memory_space<hbm>>
        %dma_wait3A_383 = arith.constant 0 : i32
        %dma_wait3A_384 = tpu.memref_slice %arg3[%scan3A_5, %dma_wait3A_383] : memref<50x16384xi32, #tpu.memory_space<hbm>> -> memref<1x1024xi32, #tpu.memory_space<hbm>>
        %dma_wait3A_385 = tpu.memref_squeeze %dma_wait3A_384 : memref<1x1024xi32, #tpu.memory_space<hbm>> -> memref<1024xi32, #tpu.memory_space<hbm>>
        tpu.wait_dma2 semaphore(%arg13 : memref<!tpu.dma_semaphore, #tpu.memory_space<semaphore_mem>>) src(%dma_wait3A_385 : memref<1024xi32, #tpu.memory_space<hbm>>) dst(%arg6 : memref<1024xi32, #tpu.memory_space<vmem>>)
        %dma_wait3A_386 = arith.constant 0 : i32
        %dma_wait3A_387 = arith.constant 0 : i32
        %dma_wait3A_388 = arith.constant 0 : i32
        %dma_wait3A_389 = tpu.memref_slice %arg4[%dma_wait3A_386, %dma_wait3A_387, %dma_wait3A_388] : memref<50x64x16384xf32, #tpu.memory_space<hbm>> -> memref<1x1x1024xf32, #tpu.memory_space<hbm>>
        %dma_wait3A_390 = tpu.memref_squeeze %dma_wait3A_389 : memref<1x1x1024xf32, #tpu.memory_space<hbm>> -> memref<1024xf32, #tpu.memory_space<hbm>>
        %dma_wait3A_391 = arith.constant 0 : i32
        %dma_wait3A_392 = tpu.memref_slice %arg4[%dma_wait3A_386, %dma_wait3A_387, %dma_wait3A_391] : memref<50x64x16384xf32, #tpu.memory_space<hbm>> -> memref<1x1x1024xf32, #tpu.memory_space<hbm>>
        %dma_wait3A_393 = tpu.memref_squeeze %dma_wait3A_392 : memref<1x1x1024xf32, #tpu.memory_space<hbm>> -> memref<1024xf32, #tpu.memory_space<hbm>>
        tpu.wait_dma2 semaphore(%arg17 : memref<!tpu.dma_semaphore, #tpu.memory_space<semaphore_mem>>) src(%arg8 : memref<1024xf32, #tpu.memory_space<vmem>>) dst(%dma_wait3A_393 : memref<1024xf32, #tpu.memory_space<hbm>>)
        %dma_start3A_394 = arith.constant 0 : i32
        %dma_start3A_395 = tpu.memref_slice %arg10[%dma_start3A_394] : memref<1000000xf32, #tpu.memory_space<vmem_shared>> -> memref<1000000xf32, #tpu.memory_space<vmem_shared>>
        tpu.enqueue_indirect_dma source(%dma_start3A_395 : memref<1000000xf32, #tpu.memory_space<vmem_shared>>) target(%arg8 : memref<1024xf32, #tpu.memory_space<vmem>>) offsets(%arg6 : memref<1024xi32, #tpu.memory_space<vmem>>) semaphore(%arg15 : memref<!tpu.dma_semaphore, #tpu.memory_space<semaphore_mem>>)
        %sub3A_396 = arith.constant 1 : i32
        %sub3A_397 = arith.subi %add3A_379, %sub3A_396 : i32
        %dma_wait3A_398 = arith.constant 0 : i32
        %dma_wait3A_399 = tpu.memref_slice %arg2[%scan3A_6, %dma_wait3A_398] : memref<64x1000000xf32, #tpu.memory_space<hbm>> -> memref<1x1024xf32, #tpu.memory_space<hbm>>
        %dma_wait3A_400 = tpu.memref_squeeze %dma_wait3A_399 : memref<1x1024xf32, #tpu.memory_space<hbm>> -> memref<1024xf32, #tpu.memory_space<hbm>>
        %dma_wait3A_401 = arith.constant 0 : i32
        %dma_wait3A_402 = tpu.memref_slice %arg2[%scan3A_6, %dma_wait3A_401] : memref<64x1000000xf32, #tpu.memory_space<hbm>> -> memref<1x1024xf32, #tpu.memory_space<hbm>>
        %dma_wait3A_403 = tpu.memref_squeeze %dma_wait3A_402 : memref<1x1024xf32, #tpu.memory_space<hbm>> -> memref<1024xf32, #tpu.memory_space<hbm>>
        tpu.wait_dma2 semaphore(%arg16 : memref<!tpu.dma_semaphore, #tpu.memory_space<semaphore_mem>>) src(%dma_wait3A_403 : memref<1024xf32, #tpu.memory_space<hbm>>) dst(%arg9 : memref<1024xf32, #tpu.memory_space<vmem>>)
        %dma_start3A_404 = tpu.memref_slice %arg4[%sub3A_397, %add3A, %mul3A_0] : memref<50x64x16384xf32, #tpu.memory_space<hbm>> -> memref<1x1x1024xf32, #tpu.memory_space<hbm>>
        %dma_start3A_405 = tpu.memref_squeeze %dma_start3A_404 : memref<1x1x1024xf32, #tpu.memory_space<hbm>> -> memref<1024xf32, #tpu.memory_space<hbm>>
        %dma_start3A_406 = tpu.memref_slice %arg4[%sub3A_397, %add3A, %mul3A_0] : memref<50x64x16384xf32, #tpu.memory_space<hbm>> -> memref<1x1x1024xf32, #tpu.memory_space<hbm>>
        %dma_start3A_407 = tpu.memref_squeeze %dma_start3A_406 : memref<1x1x1024xf32, #tpu.memory_space<hbm>> -> memref<1024xf32, #tpu.memory_space<hbm>>
        tpu.enqueue_dma source(%arg9 : memref<1024xf32, #tpu.memory_space<vmem>>) target(%dma_start3A_407 : memref<1024xf32, #tpu.memory_space<hbm>>) target_semaphore(%arg18 : memref<!tpu.dma_semaphore, #tpu.memory_space<semaphore_mem>>)
        %add3A_408 = arith.constant 2 : i32
        %add3A_409 = arith.addi %add3A_379, %add3A_408 : i32
        %lt3A_410 = arith.constant 50 : i32
        %lt3A_411 = arith.cmpi slt, %add3A_409, %lt3A_410 : i32
        %convert_element_type3A_412 = arith.extui %lt3A_411 : i1 to i32
        %cond3A_413 = arith.constant 0 : i32
        %cond3A_414 = arith.cmpi ne, %convert_element_type3A_412, %cond3A_413 : i32
        scf.if %cond3A_414 {
          %add3A_454 = arith.constant 2 : i32
          %add3A_455 = arith.addi %add3A_379, %add3A_454 : i32
          %dma_start3A_456 = tpu.memref_slice %arg3[%add3A_455, %mul3A_0] : memref<50x16384xi32, #tpu.memory_space<hbm>> -> memref<1x1024xi32, #tpu.memory_space<hbm>>
          %dma_start3A_457 = tpu.memref_squeeze %dma_start3A_456 : memref<1x1024xi32, #tpu.memory_space<hbm>> -> memref<1024xi32, #tpu.memory_space<hbm>>
          %dma_start3A_458 = tpu.memref_slice %arg3[%add3A_455, %mul3A_0] : memref<50x16384xi32, #tpu.memory_space<hbm>> -> memref<1x1024xi32, #tpu.memory_space<hbm>>
          %dma_start3A_459 = tpu.memref_squeeze %dma_start3A_458 : memref<1x1024xi32, #tpu.memory_space<hbm>> -> memref<1024xi32, #tpu.memory_space<hbm>>
          tpu.enqueue_dma source(%dma_start3A_459 : memref<1024xi32, #tpu.memory_space<hbm>>) target(%arg5 : memref<1024xi32, #tpu.memory_space<vmem>>) target_semaphore(%arg12 : memref<!tpu.dma_semaphore, #tpu.memory_space<semaphore_mem>>)
        } else {
        }
        %mul3A_415 = arith.constant 6 : i32
        %mul3A_416 = arith.muli %mul3A_415, %scan3A_236 : i32
        %add3A_417 = arith.constant 5 : i32
        %add3A_418 = arith.addi %mul3A_416, %add3A_417 : i32
        %dma_wait3A_419 = arith.constant 0 : i32
        %dma_wait3A_420 = tpu.memref_slice %arg3[%scan3A_5, %dma_wait3A_419] : memref<50x16384xi32, #tpu.memory_space<hbm>> -> memref<1x1024xi32, #tpu.memory_space<hbm>>
        %dma_wait3A_421 = tpu.memref_squeeze %dma_wait3A_420 : memref<1x1024xi32, #tpu.memory_space<hbm>> -> memref<1024xi32, #tpu.memory_space<hbm>>
        %dma_wait3A_422 = arith.constant 0 : i32
        %dma_wait3A_423 = tpu.memref_slice %arg3[%scan3A_5, %dma_wait3A_422] : memref<50x16384xi32, #tpu.memory_space<hbm>> -> memref<1x1024xi32, #tpu.memory_space<hbm>>
        %dma_wait3A_424 = tpu.memref_squeeze %dma_wait3A_423 : memref<1x1024xi32, #tpu.memory_space<hbm>> -> memref<1024xi32, #tpu.memory_space<hbm>>
        tpu.wait_dma2 semaphore(%arg14 : memref<!tpu.dma_semaphore, #tpu.memory_space<semaphore_mem>>) src(%dma_wait3A_424 : memref<1024xi32, #tpu.memory_space<hbm>>) dst(%arg7 : memref<1024xi32, #tpu.memory_space<vmem>>)
        %dma_wait3A_425 = arith.constant 0 : i32
        %dma_wait3A_426 = arith.constant 0 : i32
        %dma_wait3A_427 = arith.constant 0 : i32
        %dma_wait3A_428 = tpu.memref_slice %arg4[%dma_wait3A_425, %dma_wait3A_426, %dma_wait3A_427] : memref<50x64x16384xf32, #tpu.memory_space<hbm>> -> memref<1x1x1024xf32, #tpu.memory_space<hbm>>
        %dma_wait3A_429 = tpu.memref_squeeze %dma_wait3A_428 : memref<1x1x1024xf32, #tpu.memory_space<hbm>> -> memref<1024xf32, #tpu.memory_space<hbm>>
        %dma_wait3A_430 = arith.constant 0 : i32
        %dma_wait3A_431 = tpu.memref_slice %arg4[%dma_wait3A_425, %dma_wait3A_426, %dma_wait3A_430] : memref<50x64x16384xf32, #tpu.memory_space<hbm>> -> memref<1x1x1024xf32, #tpu.memory_space<hbm>>
        %dma_wait3A_432 = tpu.memref_squeeze %dma_wait3A_431 : memref<1x1x1024xf32, #tpu.memory_space<hbm>> -> memref<1024xf32, #tpu.memory_space<hbm>>
        tpu.wait_dma2 semaphore(%arg18 : memref<!tpu.dma_semaphore, #tpu.memory_space<semaphore_mem>>) src(%arg9 : memref<1024xf32, #tpu.memory_space<vmem>>) dst(%dma_wait3A_432 : memref<1024xf32, #tpu.memory_space<hbm>>)
        %dma_start3A_433 = arith.constant 0 : i32
        %dma_start3A_434 = tpu.memref_slice %arg10[%dma_start3A_433] : memref<1000000xf32, #tpu.memory_space<vmem_shared>> -> memref<1000000xf32, #tpu.memory_space<vmem_shared>>
        tpu.enqueue_indirect_dma source(%dma_start3A_434 : memref<1000000xf32, #tpu.memory_space<vmem_shared>>) target(%arg9 : memref<1024xf32, #tpu.memory_space<vmem>>) offsets(%arg7 : memref<1024xi32, #tpu.memory_space<vmem>>) semaphore(%arg16 : memref<!tpu.dma_semaphore, #tpu.memory_space<semaphore_mem>>)
        %sub3A_435 = arith.constant 1 : i32
        %sub3A_436 = arith.subi %add3A_418, %sub3A_435 : i32
        %dma_wait3A_437 = arith.constant 0 : i32
        %dma_wait3A_438 = tpu.memref_slice %arg2[%scan3A_6, %dma_wait3A_437] : memref<64x1000000xf32, #tpu.memory_space<hbm>> -> memref<1x1024xf32, #tpu.memory_space<hbm>>
        %dma_wait3A_439 = tpu.memref_squeeze %dma_wait3A_438 : memref<1x1024xf32, #tpu.memory_space<hbm>> -> memref<1024xf32, #tpu.memory_space<hbm>>
        %dma_wait3A_440 = arith.constant 0 : i32
        %dma_wait3A_441 = tpu.memref_slice %arg2[%scan3A_6, %dma_wait3A_440] : memref<64x1000000xf32, #tpu.memory_space<hbm>> -> memref<1x1024xf32, #tpu.memory_space<hbm>>
        %dma_wait3A_442 = tpu.memref_squeeze %dma_wait3A_441 : memref<1x1024xf32, #tpu.memory_space<hbm>> -> memref<1024xf32, #tpu.memory_space<hbm>>
        tpu.wait_dma2 semaphore(%arg15 : memref<!tpu.dma_semaphore, #tpu.memory_space<semaphore_mem>>) src(%dma_wait3A_442 : memref<1024xf32, #tpu.memory_space<hbm>>) dst(%arg8 : memref<1024xf32, #tpu.memory_space<vmem>>)
        %dma_start3A_443 = tpu.memref_slice %arg4[%sub3A_436, %add3A, %mul3A_0] : memref<50x64x16384xf32, #tpu.memory_space<hbm>> -> memref<1x1x1024xf32, #tpu.memory_space<hbm>>
        %dma_start3A_444 = tpu.memref_squeeze %dma_start3A_443 : memref<1x1x1024xf32, #tpu.memory_space<hbm>> -> memref<1024xf32, #tpu.memory_space<hbm>>
        %dma_start3A_445 = tpu.memref_slice %arg4[%sub3A_436, %add3A, %mul3A_0] : memref<50x64x16384xf32, #tpu.memory_space<hbm>> -> memref<1x1x1024xf32, #tpu.memory_space<hbm>>
        %dma_start3A_446 = tpu.memref_squeeze %dma_start3A_445 : memref<1x1x1024xf32, #tpu.memory_space<hbm>> -> memref<1024xf32, #tpu.memory_space<hbm>>
        tpu.enqueue_dma source(%arg8 : memref<1024xf32, #tpu.memory_space<vmem>>) target(%dma_start3A_446 : memref<1024xf32, #tpu.memory_space<hbm>>) target_semaphore(%arg17 : memref<!tpu.dma_semaphore, #tpu.memory_space<semaphore_mem>>)
        %add3A_447 = arith.constant 2 : i32
        %add3A_448 = arith.addi %add3A_418, %add3A_447 : i32
        %lt3A_449 = arith.constant 50 : i32
        %lt3A_450 = arith.cmpi slt, %add3A_448, %lt3A_449 : i32
        %convert_element_type3A_451 = arith.extui %lt3A_450 : i1 to i32
        %cond3A_452 = arith.constant 0 : i32
        %cond3A_453 = arith.cmpi ne, %convert_element_type3A_451, %cond3A_452 : i32
        scf.if %cond3A_453 {
          %add3A_454 = arith.constant 2 : i32
          %add3A_455 = arith.addi %add3A_418, %add3A_454 : i32
          %dma_start3A_456 = tpu.memref_slice %arg3[%add3A_455, %mul3A_0] : memref<50x16384xi32, #tpu.memory_space<hbm>> -> memref<1x1024xi32, #tpu.memory_space<hbm>>
          %dma_start3A_457 = tpu.memref_squeeze %dma_start3A_456 : memref<1x1024xi32, #tpu.memory_space<hbm>> -> memref<1024xi32, #tpu.memory_space<hbm>>
          %dma_start3A_458 = tpu.memref_slice %arg3[%add3A_455, %mul3A_0] : memref<50x16384xi32, #tpu.memory_space<hbm>> -> memref<1x1024xi32, #tpu.memory_space<hbm>>
          %dma_start3A_459 = tpu.memref_squeeze %dma_start3A_458 : memref<1x1024xi32, #tpu.memory_space<hbm>> -> memref<1024xi32, #tpu.memory_space<hbm>>
          tpu.enqueue_dma source(%dma_start3A_459 : memref<1024xi32, #tpu.memory_space<hbm>>) target(%arg6 : memref<1024xi32, #tpu.memory_space<vmem>>) target_semaphore(%arg13 : memref<!tpu.dma_semaphore, #tpu.memory_space<semaphore_mem>>)
        } else {
        }
      }
      %scan3A_56 = arith.constant 8 : i32
      %dma_wait3A_57 = arith.constant 0 : i32
      %dma_wait3A_58 = tpu.memref_slice %arg3[%scan3A_5, %dma_wait3A_57] : memref<50x16384xi32, #tpu.memory_space<hbm>> -> memref<1x1024xi32, #tpu.memory_space<hbm>>
      %dma_wait3A_59 = tpu.memref_squeeze %dma_wait3A_58 : memref<1x1024xi32, #tpu.memory_space<hbm>> -> memref<1024xi32, #tpu.memory_space<hbm>>
      %dma_wait3A_60 = arith.constant 0 : i32
      %dma_wait3A_61 = tpu.memref_slice %arg3[%scan3A_5, %dma_wait3A_60] : memref<50x16384xi32, #tpu.memory_space<hbm>> -> memref<1x1024xi32, #tpu.memory_space<hbm>>
      %dma_wait3A_62 = tpu.memref_squeeze %dma_wait3A_61 : memref<1x1024xi32, #tpu.memory_space<hbm>> -> memref<1024xi32, #tpu.memory_space<hbm>>
      tpu.wait_dma2 semaphore(%arg12 : memref<!tpu.dma_semaphore, #tpu.memory_space<semaphore_mem>>) src(%dma_wait3A_62 : memref<1024xi32, #tpu.memory_space<hbm>>) dst(%arg5 : memref<1024xi32, #tpu.memory_space<vmem>>)
      %dma_wait3A_63 = arith.constant 0 : i32
      %dma_wait3A_64 = arith.constant 0 : i32
      %dma_wait3A_65 = arith.constant 0 : i32
      %dma_wait3A_66 = tpu.memref_slice %arg4[%dma_wait3A_63, %dma_wait3A_64, %dma_wait3A_65] : memref<50x64x16384xf32, #tpu.memory_space<hbm>> -> memref<1x1x1024xf32, #tpu.memory_space<hbm>>
      %dma_wait3A_67 = tpu.memref_squeeze %dma_wait3A_66 : memref<1x1x1024xf32, #tpu.memory_space<hbm>> -> memref<1024xf32, #tpu.memory_space<hbm>>
      %dma_wait3A_68 = arith.constant 0 : i32
      %dma_wait3A_69 = tpu.memref_slice %arg4[%dma_wait3A_63, %dma_wait3A_64, %dma_wait3A_68] : memref<50x64x16384xf32, #tpu.memory_space<hbm>> -> memref<1x1x1024xf32, #tpu.memory_space<hbm>>
      %dma_wait3A_70 = tpu.memref_squeeze %dma_wait3A_69 : memref<1x1x1024xf32, #tpu.memory_space<hbm>> -> memref<1024xf32, #tpu.memory_space<hbm>>
      tpu.wait_dma2 semaphore(%arg17 : memref<!tpu.dma_semaphore, #tpu.memory_space<semaphore_mem>>) src(%arg8 : memref<1024xf32, #tpu.memory_space<vmem>>) dst(%dma_wait3A_70 : memref<1024xf32, #tpu.memory_space<hbm>>)
      %dma_start3A_71 = arith.constant 0 : i32
      %dma_start3A_72 = tpu.memref_slice %arg10[%dma_start3A_71] : memref<1000000xf32, #tpu.memory_space<vmem_shared>> -> memref<1000000xf32, #tpu.memory_space<vmem_shared>>
      tpu.enqueue_indirect_dma source(%dma_start3A_72 : memref<1000000xf32, #tpu.memory_space<vmem_shared>>) target(%arg8 : memref<1024xf32, #tpu.memory_space<vmem>>) offsets(%arg5 : memref<1024xi32, #tpu.memory_space<vmem>>) semaphore(%arg15 : memref<!tpu.dma_semaphore, #tpu.memory_space<semaphore_mem>>)
      %dma_wait3A_73 = arith.constant 0 : i32
      %dma_wait3A_74 = tpu.memref_slice %arg2[%scan3A_6, %dma_wait3A_73] : memref<64x1000000xf32, #tpu.memory_space<hbm>> -> memref<1x1024xf32, #tpu.memory_space<hbm>>
      %dma_wait3A_75 = tpu.memref_squeeze %dma_wait3A_74 : memref<1x1024xf32, #tpu.memory_space<hbm>> -> memref<1024xf32, #tpu.memory_space<hbm>>
      %dma_wait3A_76 = arith.constant 0 : i32
      %dma_wait3A_77 = tpu.memref_slice %arg2[%scan3A_6, %dma_wait3A_76] : memref<64x1000000xf32, #tpu.memory_space<hbm>> -> memref<1x1024xf32, #tpu.memory_space<hbm>>
      %dma_wait3A_78 = tpu.memref_squeeze %dma_wait3A_77 : memref<1x1024xf32, #tpu.memory_space<hbm>> -> memref<1024xf32, #tpu.memory_space<hbm>>
      tpu.wait_dma2 semaphore(%arg16 : memref<!tpu.dma_semaphore, #tpu.memory_space<semaphore_mem>>) src(%dma_wait3A_78 : memref<1024xf32, #tpu.memory_space<hbm>>) dst(%arg9 : memref<1024xf32, #tpu.memory_space<vmem>>)
      %dma_start3A_79 = arith.constant 47 : i32
      %dma_start3A_80 = tpu.memref_slice %arg4[%dma_start3A_79, %add3A, %mul3A_0] : memref<50x64x16384xf32, #tpu.memory_space<hbm>> -> memref<1x1x1024xf32, #tpu.memory_space<hbm>>
      %dma_start3A_81 = tpu.memref_squeeze %dma_start3A_80 : memref<1x1x1024xf32, #tpu.memory_space<hbm>> -> memref<1024xf32, #tpu.memory_space<hbm>>
      %dma_start3A_82 = tpu.memref_slice %arg4[%dma_start3A_79, %add3A, %mul3A_0] : memref<50x64x16384xf32, #tpu.memory_space<hbm>> -> memref<1x1x1024xf32, #tpu.memory_space<hbm>>
      %dma_start3A_83 = tpu.memref_squeeze %dma_start3A_82 : memref<1x1x1024xf32, #tpu.memory_space<hbm>> -> memref<1024xf32, #tpu.memory_space<hbm>>
      tpu.enqueue_dma source(%arg9 : memref<1024xf32, #tpu.memory_space<vmem>>) target(%dma_start3A_83 : memref<1024xf32, #tpu.memory_space<hbm>>) target_semaphore(%arg18 : memref<!tpu.dma_semaphore, #tpu.memory_space<semaphore_mem>>)
      %dma_wait3A_84 = arith.constant 0 : i32
      %dma_wait3A_85 = tpu.memref_slice %arg3[%scan3A_5, %dma_wait3A_84] : memref<50x16384xi32, #tpu.memory_space<hbm>> -> memref<1x1024xi32, #tpu.memory_space<hbm>>
      %dma_wait3A_86 = tpu.memref_squeeze %dma_wait3A_85 : memref<1x1024xi32, #tpu.memory_space<hbm>> -> memref<1024xi32, #tpu.memory_space<hbm>>
      %dma_wait3A_87 = arith.constant 0 : i32
      %dma_wait3A_88 = tpu.memref_slice %arg3[%scan3A_5, %dma_wait3A_87] : memref<50x16384xi32, #tpu.memory_space<hbm>> -> memref<1x1024xi32, #tpu.memory_space<hbm>>
      %dma_wait3A_89 = tpu.memref_squeeze %dma_wait3A_88 : memref<1x1024xi32, #tpu.memory_space<hbm>> -> memref<1024xi32, #tpu.memory_space<hbm>>
      tpu.wait_dma2 semaphore(%arg13 : memref<!tpu.dma_semaphore, #tpu.memory_space<semaphore_mem>>) src(%dma_wait3A_89 : memref<1024xi32, #tpu.memory_space<hbm>>) dst(%arg6 : memref<1024xi32, #tpu.memory_space<vmem>>)
      %dma_wait3A_90 = arith.constant 0 : i32
      %dma_wait3A_91 = arith.constant 0 : i32
      %dma_wait3A_92 = arith.constant 0 : i32
      %dma_wait3A_93 = tpu.memref_slice %arg4[%dma_wait3A_90, %dma_wait3A_91, %dma_wait3A_92] : memref<50x64x16384xf32, #tpu.memory_space<hbm>> -> memref<1x1x1024xf32, #tpu.memory_space<hbm>>
      %dma_wait3A_94 = tpu.memref_squeeze %dma_wait3A_93 : memref<1x1x1024xf32, #tpu.memory_space<hbm>> -> memref<1024xf32, #tpu.memory_space<hbm>>
      %dma_wait3A_95 = arith.constant 0 : i32
      %dma_wait3A_96 = tpu.memref_slice %arg4[%dma_wait3A_90, %dma_wait3A_91, %dma_wait3A_95] : memref<50x64x16384xf32, #tpu.memory_space<hbm>> -> memref<1x1x1024xf32, #tpu.memory_space<hbm>>
      %dma_wait3A_97 = tpu.memref_squeeze %dma_wait3A_96 : memref<1x1x1024xf32, #tpu.memory_space<hbm>> -> memref<1024xf32, #tpu.memory_space<hbm>>
      tpu.wait_dma2 semaphore(%arg18 : memref<!tpu.dma_semaphore, #tpu.memory_space<semaphore_mem>>) src(%arg9 : memref<1024xf32, #tpu.memory_space<vmem>>) dst(%dma_wait3A_97 : memref<1024xf32, #tpu.memory_space<hbm>>)
      %dma_start3A_98 = arith.constant 0 : i32
      %dma_start3A_99 = tpu.memref_slice %arg10[%dma_start3A_98] : memref<1000000xf32, #tpu.memory_space<vmem_shared>> -> memref<1000000xf32, #tpu.memory_space<vmem_shared>>
      tpu.enqueue_indirect_dma source(%dma_start3A_99 : memref<1000000xf32, #tpu.memory_space<vmem_shared>>) target(%arg9 : memref<1024xf32, #tpu.memory_space<vmem>>) offsets(%arg6 : memref<1024xi32, #tpu.memory_space<vmem>>) semaphore(%arg16 : memref<!tpu.dma_semaphore, #tpu.memory_space<semaphore_mem>>)
      %dma_wait3A_100 = arith.constant 0 : i32
      %dma_wait3A_101 = tpu.memref_slice %arg2[%scan3A_6, %dma_wait3A_100] : memref<64x1000000xf32, #tpu.memory_space<hbm>> -> memref<1x1024xf32, #tpu.memory_space<hbm>>
      %dma_wait3A_102 = tpu.memref_squeeze %dma_wait3A_101 : memref<1x1024xf32, #tpu.memory_space<hbm>> -> memref<1024xf32, #tpu.memory_space<hbm>>
      %dma_wait3A_103 = arith.constant 0 : i32
      %dma_wait3A_104 = tpu.memref_slice %arg2[%scan3A_6, %dma_wait3A_103] : memref<64x1000000xf32, #tpu.memory_space<hbm>> -> memref<1x1024xf32, #tpu.memory_space<hbm>>
      %dma_wait3A_105 = tpu.memref_squeeze %dma_wait3A_104 : memref<1x1024xf32, #tpu.memory_space<hbm>> -> memref<1024xf32, #tpu.memory_space<hbm>>
      tpu.wait_dma2 semaphore(%arg15 : memref<!tpu.dma_semaphore, #tpu.memory_space<semaphore_mem>>) src(%dma_wait3A_105 : memref<1024xf32, #tpu.memory_space<hbm>>) dst(%arg8 : memref<1024xf32, #tpu.memory_space<vmem>>)
      %dma_start3A_106 = arith.constant 48 : i32
      %dma_start3A_107 = tpu.memref_slice %arg4[%dma_start3A_106, %add3A, %mul3A_0] : memref<50x64x16384xf32, #tpu.memory_space<hbm>> -> memref<1x1x1024xf32, #tpu.memory_space<hbm>>
      %dma_start3A_108 = tpu.memref_squeeze %dma_start3A_107 : memref<1x1x1024xf32, #tpu.memory_space<hbm>> -> memref<1024xf32, #tpu.memory_space<hbm>>
      %dma_start3A_109 = tpu.memref_slice %arg4[%dma_start3A_106, %add3A, %mul3A_0] : memref<50x64x16384xf32, #tpu.memory_space<hbm>> -> memref<1x1x1024xf32, #tpu.memory_space<hbm>>
      %dma_start3A_110 = tpu.memref_squeeze %dma_start3A_109 : memref<1x1x1024xf32, #tpu.memory_space<hbm>> -> memref<1024xf32, #tpu.memory_space<hbm>>
      tpu.enqueue_dma source(%arg8 : memref<1024xf32, #tpu.memory_space<vmem>>) target(%dma_start3A_110 : memref<1024xf32, #tpu.memory_space<hbm>>) target_semaphore(%arg17 : memref<!tpu.dma_semaphore, #tpu.memory_space<semaphore_mem>>)
      %dma_wait3A_111 = arith.constant 0 : i32
      %dma_wait3A_112 = tpu.memref_slice %arg2[%scan3A_6, %dma_wait3A_111] : memref<64x1000000xf32, #tpu.memory_space<hbm>> -> memref<1x1024xf32, #tpu.memory_space<hbm>>
      %dma_wait3A_113 = tpu.memref_squeeze %dma_wait3A_112 : memref<1x1024xf32, #tpu.memory_space<hbm>> -> memref<1024xf32, #tpu.memory_space<hbm>>
      %dma_wait3A_114 = arith.constant 0 : i32
      %dma_wait3A_115 = tpu.memref_slice %arg2[%scan3A_6, %dma_wait3A_114] : memref<64x1000000xf32, #tpu.memory_space<hbm>> -> memref<1x1024xf32, #tpu.memory_space<hbm>>
      %dma_wait3A_116 = tpu.memref_squeeze %dma_wait3A_115 : memref<1x1024xf32, #tpu.memory_space<hbm>> -> memref<1024xf32, #tpu.memory_space<hbm>>
      tpu.wait_dma2 semaphore(%arg16 : memref<!tpu.dma_semaphore, #tpu.memory_space<semaphore_mem>>) src(%dma_wait3A_116 : memref<1024xf32, #tpu.memory_space<hbm>>) dst(%arg9 : memref<1024xf32, #tpu.memory_space<vmem>>)
      %dma_start3A_117 = arith.constant 49 : i32
      %dma_start3A_118 = tpu.memref_slice %arg4[%dma_start3A_117, %add3A, %mul3A_0] : memref<50x64x16384xf32, #tpu.memory_space<hbm>> -> memref<1x1x1024xf32, #tpu.memory_space<hbm>>
      %dma_start3A_119 = tpu.memref_squeeze %dma_start3A_118 : memref<1x1x1024xf32, #tpu.memory_space<hbm>> -> memref<1024xf32, #tpu.memory_space<hbm>>
      %dma_start3A_120 = tpu.memref_slice %arg4[%dma_start3A_117, %add3A, %mul3A_0] : memref<50x64x16384xf32, #tpu.memory_space<hbm>> -> memref<1x1x1024xf32, #tpu.memory_space<hbm>>
      %dma_start3A_121 = tpu.memref_squeeze %dma_start3A_120 : memref<1x1x1024xf32, #tpu.memory_space<hbm>> -> memref<1024xf32, #tpu.memory_space<hbm>>
      tpu.enqueue_dma source(%arg9 : memref<1024xf32, #tpu.memory_space<vmem>>) target(%dma_start3A_121 : memref<1024xf32, #tpu.memory_space<hbm>>) target_semaphore(%arg18 : memref<!tpu.dma_semaphore, #tpu.memory_space<semaphore_mem>>)
      %eq3A_122 = arith.constant 0 : i32
      %eq3A_123 = arith.cmpi eq, %arg1, %eq3A_122 : i32
      %lt3A = arith.constant 15 : i32
      %lt3A_124 = arith.cmpi slt, %scan3A_27, %lt3A : i32
      %and3A = arith.andi %eq3A_123, %lt3A_124 : i1
      %convert_element_type3A_125 = arith.extui %and3A : i1 to i32
      %cond3A_126 = arith.constant 0 : i32
      %cond3A_127 = arith.cmpi ne, %convert_element_type3A_125, %cond3A_126 : i32
      scf.if %cond3A_127 {
        %add3A_236 = arith.constant 2 : i32
        %add3A_237 = arith.addi %add3A, %add3A_236 : i32
        %dma_start3A_238 = arith.constant 0 : i32
        %dma_start3A_239 = tpu.memref_slice %arg2[%add3A_237, %dma_start3A_238] : memref<64x1000000xf32, #tpu.memory_space<hbm>> -> memref<1x1000000xf32, #tpu.memory_space<hbm>>
        %dma_start3A_240 = tpu.memref_squeeze %dma_start3A_239 : memref<1x1000000xf32, #tpu.memory_space<hbm>> -> memref<1000000xf32, #tpu.memory_space<hbm>>
        tpu.enqueue_dma source(%dma_start3A_240 : memref<1000000xf32, #tpu.memory_space<hbm>>) target(%arg10 : memref<1000000xf32, #tpu.memory_space<vmem_shared>>) target_semaphore(%arg19 : memref<!tpu.dma_semaphore, #tpu.memory_space<semaphore_mem>>)
      } else {
      }
      %mul3A_128 = arith.constant 2 : i32
      %mul3A_129 = arith.muli %mul3A_128, %scan3A_27 : i32
      %add3A_130 = arith.constant 1 : i32
      %add3A_131 = arith.addi %mul3A_129, %add3A_130 : i32
      %mul3A_132 = arith.constant 2 : i32
      %mul3A_133 = arith.muli %mul3A_132, %scan3A_27 : i32
      %add3A_134 = arith.addi %mul3A_2, %mul3A_133 : i32
      %add3A_135 = arith.constant 1 : i32
      %add3A_136 = arith.addi %add3A_134, %add3A_135 : i32
      %dma_start3A_137 = arith.constant 0 : i32
      %dma_start3A_138 = tpu.memref_slice %arg3[%dma_start3A_137, %mul3A_0] : memref<50x16384xi32, #tpu.memory_space<hbm>> -> memref<1x1024xi32, #tpu.memory_space<hbm>>
      %dma_start3A_139 = tpu.memref_squeeze %dma_start3A_138 : memref<1x1024xi32, #tpu.memory_space<hbm>> -> memref<1024xi32, #tpu.memory_space<hbm>>
      %dma_start3A_140 = tpu.memref_slice %arg3[%dma_start3A_137, %mul3A_0] : memref<50x16384xi32, #tpu.memory_space<hbm>> -> memref<1x1024xi32, #tpu.memory_space<hbm>>
      %dma_start3A_141 = tpu.memref_squeeze %dma_start3A_140 : memref<1x1024xi32, #tpu.memory_space<hbm>> -> memref<1024xi32, #tpu.memory_space<hbm>>
      tpu.enqueue_dma source(%dma_start3A_141 : memref<1024xi32, #tpu.memory_space<hbm>>) target(%arg5 : memref<1024xi32, #tpu.memory_space<vmem>>) target_semaphore(%arg12 : memref<!tpu.dma_semaphore, #tpu.memory_space<semaphore_mem>>)
      %dma_start3A_142 = arith.constant 1 : i32
      %dma_start3A_143 = tpu.memref_slice %arg3[%dma_start3A_142, %mul3A_0] : memref<50x16384xi32, #tpu.memory_space<hbm>> -> memref<1x1024xi32, #tpu.memory_space<hbm>>
      %dma_start3A_144 = tpu.memref_squeeze %dma_start3A_143 : memref<1x1024xi32, #tpu.memory_space<hbm>> -> memref<1024xi32, #tpu.memory_space<hbm>>
      %dma_start3A_145 = tpu.memref_slice %arg3[%dma_start3A_142, %mul3A_0] : memref<50x16384xi32, #tpu.memory_space<hbm>> -> memref<1x1024xi32, #tpu.memory_space<hbm>>
      %dma_start3A_146 = tpu.memref_squeeze %dma_start3A_145 : memref<1x1024xi32, #tpu.memory_space<hbm>> -> memref<1024xi32, #tpu.memory_space<hbm>>
      tpu.enqueue_dma source(%dma_start3A_146 : memref<1024xi32, #tpu.memory_space<hbm>>) target(%arg6 : memref<1024xi32, #tpu.memory_space<vmem>>) target_semaphore(%arg13 : memref<!tpu.dma_semaphore, #tpu.memory_space<semaphore_mem>>)
      %dma_start3A_147 = arith.constant 2 : i32
      %dma_start3A_148 = tpu.memref_slice %arg3[%dma_start3A_147, %mul3A_0] : memref<50x16384xi32, #tpu.memory_space<hbm>> -> memref<1x1024xi32, #tpu.memory_space<hbm>>
      %dma_start3A_149 = tpu.memref_squeeze %dma_start3A_148 : memref<1x1024xi32, #tpu.memory_space<hbm>> -> memref<1024xi32, #tpu.memory_space<hbm>>
      %dma_start3A_150 = tpu.memref_slice %arg3[%dma_start3A_147, %mul3A_0] : memref<50x16384xi32, #tpu.memory_space<hbm>> -> memref<1x1024xi32, #tpu.memory_space<hbm>>
      %dma_start3A_151 = tpu.memref_squeeze %dma_start3A_150 : memref<1x1024xi32, #tpu.memory_space<hbm>> -> memref<1024xi32, #tpu.memory_space<hbm>>
      tpu.enqueue_dma source(%dma_start3A_151 : memref<1024xi32, #tpu.memory_space<hbm>>) target(%arg7 : memref<1024xi32, #tpu.memory_space<vmem>>) target_semaphore(%arg14 : memref<!tpu.dma_semaphore, #tpu.memory_space<semaphore_mem>>)
      %eq3A_152 = arith.constant 0 : i32
      %eq3A_153 = arith.cmpi eq, %arg1, %eq3A_152 : i32
      %convert_element_type3A_154 = arith.extui %eq3A_153 : i1 to i32
      %cond3A_155 = arith.constant 0 : i32
      %cond3A_156 = arith.cmpi ne, %convert_element_type3A_154, %cond3A_155 : i32
      scf.if %cond3A_156 {
        %dma_wait3A_236 = arith.constant 0 : i32
        %dma_wait3A_237 = tpu.memref_slice %arg2[%add3A_136, %dma_wait3A_236] : memref<64x1000000xf32, #tpu.memory_space<hbm>> -> memref<1x1000000xf32, #tpu.memory_space<hbm>>
        %dma_wait3A_238 = tpu.memref_squeeze %dma_wait3A_237 : memref<1x1000000xf32, #tpu.memory_space<hbm>> -> memref<1000000xf32, #tpu.memory_space<hbm>>
        tpu.wait_dma2 semaphore(%arg20 : memref<!tpu.dma_semaphore, #tpu.memory_space<semaphore_mem>>) src(%dma_wait3A_238 : memref<1000000xf32, #tpu.memory_space<hbm>>) dst(%arg11 : memref<1000000xf32, #tpu.memory_space<vmem_shared>>)
      } else {
      }
      %scan3A_157 = arith.constant 0 : i32
      %scan3A_158 = arith.constant 0 : i32
      %scan3A_159 = arith.constant 8 : i32
      %scan3A_160 = arith.addi %scan3A_158, %scan3A_159 : i32
      %scan3A_161 = arith.constant 1 : i32
      scf.for %scan3A_236 = %scan3A_158 to %scan3A_160 step %scan3A_161  : i32 {
        %mul3A_237 = arith.constant 6 : i32
        %mul3A_238 = arith.muli %mul3A_237, %scan3A_236 : i32
        %add3A_239 = arith.constant 0 : i32
        %add3A_240 = arith.addi %mul3A_238, %add3A_239 : i32
        %gt3A = arith.constant 0 : i32
        %gt3A_241 = arith.cmpi sgt, %add3A_131, %gt3A : i32
        %gt3A_242 = arith.constant 0 : i32
        %gt3A_243 = arith.cmpi sgt, %scan3A_236, %gt3A_242 : i32
        %or3A = arith.ori %gt3A_241, %gt3A_243 : i1
        %dma_wait3A_244 = arith.constant 0 : i32
        %dma_wait3A_245 = tpu.memref_slice %arg3[%scan3A_5, %dma_wait3A_244] : memref<50x16384xi32, #tpu.memory_space<hbm>> -> memref<1x1024xi32, #tpu.memory_space<hbm>>
        %dma_wait3A_246 = tpu.memref_squeeze %dma_wait3A_245 : memref<1x1024xi32, #tpu.memory_space<hbm>> -> memref<1024xi32, #tpu.memory_space<hbm>>
        %dma_wait3A_247 = arith.constant 0 : i32
        %dma_wait3A_248 = tpu.memref_slice %arg3[%scan3A_5, %dma_wait3A_247] : memref<50x16384xi32, #tpu.memory_space<hbm>> -> memref<1x1024xi32, #tpu.memory_space<hbm>>
        %dma_wait3A_249 = tpu.memref_squeeze %dma_wait3A_248 : memref<1x1024xi32, #tpu.memory_space<hbm>> -> memref<1024xi32, #tpu.memory_space<hbm>>
        tpu.wait_dma2 semaphore(%arg12 : memref<!tpu.dma_semaphore, #tpu.memory_space<semaphore_mem>>) src(%dma_wait3A_249 : memref<1024xi32, #tpu.memory_space<hbm>>) dst(%arg5 : memref<1024xi32, #tpu.memory_space<vmem>>)
        %convert_element_type3A_250 = arith.extui %or3A : i1 to i32
        %cond3A_251 = arith.constant 0 : i32
        %cond3A_252 = arith.cmpi ne, %convert_element_type3A_250, %cond3A_251 : i32
        scf.if %cond3A_252 {
          %dma_wait3A_454 = arith.constant 0 : i32
          %dma_wait3A_455 = arith.constant 0 : i32
          %dma_wait3A_456 = arith.constant 0 : i32
          %dma_wait3A_457 = tpu.memref_slice %arg4[%dma_wait3A_454, %dma_wait3A_455, %dma_wait3A_456] : memref<50x64x16384xf32, #tpu.memory_space<hbm>> -> memref<1x1x1024xf32, #tpu.memory_space<hbm>>
          %dma_wait3A_458 = tpu.memref_squeeze %dma_wait3A_457 : memref<1x1x1024xf32, #tpu.memory_space<hbm>> -> memref<1024xf32, #tpu.memory_space<hbm>>
          %dma_wait3A_459 = arith.constant 0 : i32
          %dma_wait3A_460 = tpu.memref_slice %arg4[%dma_wait3A_454, %dma_wait3A_455, %dma_wait3A_459] : memref<50x64x16384xf32, #tpu.memory_space<hbm>> -> memref<1x1x1024xf32, #tpu.memory_space<hbm>>
          %dma_wait3A_461 = tpu.memref_squeeze %dma_wait3A_460 : memref<1x1x1024xf32, #tpu.memory_space<hbm>> -> memref<1024xf32, #tpu.memory_space<hbm>>
          tpu.wait_dma2 semaphore(%arg17 : memref<!tpu.dma_semaphore, #tpu.memory_space<semaphore_mem>>) src(%arg8 : memref<1024xf32, #tpu.memory_space<vmem>>) dst(%dma_wait3A_461 : memref<1024xf32, #tpu.memory_space<hbm>>)
        } else {
        }
        %dma_start3A_253 = arith.constant 0 : i32
        %dma_start3A_254 = tpu.memref_slice %arg11[%dma_start3A_253] : memref<1000000xf32, #tpu.memory_space<vmem_shared>> -> memref<1000000xf32, #tpu.memory_space<vmem_shared>>
        tpu.enqueue_indirect_dma source(%dma_start3A_254 : memref<1000000xf32, #tpu.memory_space<vmem_shared>>) target(%arg8 : memref<1024xf32, #tpu.memory_space<vmem>>) offsets(%arg5 : memref<1024xi32, #tpu.memory_space<vmem>>) semaphore(%arg15 : memref<!tpu.dma_semaphore, #tpu.memory_space<semaphore_mem>>)
        %gt3A_255 = arith.constant 0 : i32
        %gt3A_256 = arith.cmpi sgt, %scan3A_236, %gt3A_255 : i32
        %convert_element_type3A_257 = arith.extui %gt3A_256 : i1 to i32
        %cond3A_258 = arith.constant 0 : i32
        %cond3A_259 = arith.cmpi ne, %convert_element_type3A_257, %cond3A_258 : i32
        scf.if %cond3A_259 {
          %sub3A_454 = arith.constant 1 : i32
          %sub3A_455 = arith.subi %add3A_240, %sub3A_454 : i32
          %dma_wait3A_456 = arith.constant 0 : i32
          %dma_wait3A_457 = tpu.memref_slice %arg2[%scan3A_6, %dma_wait3A_456] : memref<64x1000000xf32, #tpu.memory_space<hbm>> -> memref<1x1024xf32, #tpu.memory_space<hbm>>
          %dma_wait3A_458 = tpu.memref_squeeze %dma_wait3A_457 : memref<1x1024xf32, #tpu.memory_space<hbm>> -> memref<1024xf32, #tpu.memory_space<hbm>>
          %dma_wait3A_459 = arith.constant 0 : i32
          %dma_wait3A_460 = tpu.memref_slice %arg2[%scan3A_6, %dma_wait3A_459] : memref<64x1000000xf32, #tpu.memory_space<hbm>> -> memref<1x1024xf32, #tpu.memory_space<hbm>>
          %dma_wait3A_461 = tpu.memref_squeeze %dma_wait3A_460 : memref<1x1024xf32, #tpu.memory_space<hbm>> -> memref<1024xf32, #tpu.memory_space<hbm>>
          tpu.wait_dma2 semaphore(%arg16 : memref<!tpu.dma_semaphore, #tpu.memory_space<semaphore_mem>>) src(%dma_wait3A_461 : memref<1024xf32, #tpu.memory_space<hbm>>) dst(%arg9 : memref<1024xf32, #tpu.memory_space<vmem>>)
          %dma_start3A_462 = tpu.memref_slice %arg4[%sub3A_455, %add3A_136, %mul3A_0] : memref<50x64x16384xf32, #tpu.memory_space<hbm>> -> memref<1x1x1024xf32, #tpu.memory_space<hbm>>
          %dma_start3A_463 = tpu.memref_squeeze %dma_start3A_462 : memref<1x1x1024xf32, #tpu.memory_space<hbm>> -> memref<1024xf32, #tpu.memory_space<hbm>>
          %dma_start3A_464 = tpu.memref_slice %arg4[%sub3A_455, %add3A_136, %mul3A_0] : memref<50x64x16384xf32, #tpu.memory_space<hbm>> -> memref<1x1x1024xf32, #tpu.memory_space<hbm>>
          %dma_start3A_465 = tpu.memref_squeeze %dma_start3A_464 : memref<1x1x1024xf32, #tpu.memory_space<hbm>> -> memref<1024xf32, #tpu.memory_space<hbm>>
          tpu.enqueue_dma source(%arg9 : memref<1024xf32, #tpu.memory_space<vmem>>) target(%dma_start3A_465 : memref<1024xf32, #tpu.memory_space<hbm>>) target_semaphore(%arg18 : memref<!tpu.dma_semaphore, #tpu.memory_space<semaphore_mem>>)
          %add3A_466 = arith.constant 2 : i32
          %add3A_467 = arith.addi %add3A_240, %add3A_466 : i32
          %dma_start3A_468 = tpu.memref_slice %arg3[%add3A_467, %mul3A_0] : memref<50x16384xi32, #tpu.memory_space<hbm>> -> memref<1x1024xi32, #tpu.memory_space<hbm>>
          %dma_start3A_469 = tpu.memref_squeeze %dma_start3A_468 : memref<1x1024xi32, #tpu.memory_space<hbm>> -> memref<1024xi32, #tpu.memory_space<hbm>>
          %dma_start3A_470 = tpu.memref_slice %arg3[%add3A_467, %mul3A_0] : memref<50x16384xi32, #tpu.memory_space<hbm>> -> memref<1x1024xi32, #tpu.memory_space<hbm>>
          %dma_start3A_471 = tpu.memref_squeeze %dma_start3A_470 : memref<1x1024xi32, #tpu.memory_space<hbm>> -> memref<1024xi32, #tpu.memory_space<hbm>>
          tpu.enqueue_dma source(%dma_start3A_471 : memref<1024xi32, #tpu.memory_space<hbm>>) target(%arg7 : memref<1024xi32, #tpu.memory_space<vmem>>) target_semaphore(%arg14 : memref<!tpu.dma_semaphore, #tpu.memory_space<semaphore_mem>>)
        } else {
        }
        %mul3A_260 = arith.constant 6 : i32
        %mul3A_261 = arith.muli %mul3A_260, %scan3A_236 : i32
        %add3A_262 = arith.constant 1 : i32
        %add3A_263 = arith.addi %mul3A_261, %add3A_262 : i32
        %gt3A_264 = arith.constant 0 : i32
        %gt3A_265 = arith.cmpi sgt, %add3A_131, %gt3A_264 : i32
        %gt3A_266 = arith.constant 0 : i32
        %gt3A_267 = arith.cmpi sgt, %scan3A_236, %gt3A_266 : i32
        %or3A_268 = arith.ori %gt3A_265, %gt3A_267 : i1
        %dma_wait3A_269 = arith.constant 0 : i32
        %dma_wait3A_270 = tpu.memref_slice %arg3[%scan3A_5, %dma_wait3A_269] : memref<50x16384xi32, #tpu.memory_space<hbm>> -> memref<1x1024xi32, #tpu.memory_space<hbm>>
        %dma_wait3A_271 = tpu.memref_squeeze %dma_wait3A_270 : memref<1x1024xi32, #tpu.memory_space<hbm>> -> memref<1024xi32, #tpu.memory_space<hbm>>
        %dma_wait3A_272 = arith.constant 0 : i32
        %dma_wait3A_273 = tpu.memref_slice %arg3[%scan3A_5, %dma_wait3A_272] : memref<50x16384xi32, #tpu.memory_space<hbm>> -> memref<1x1024xi32, #tpu.memory_space<hbm>>
        %dma_wait3A_274 = tpu.memref_squeeze %dma_wait3A_273 : memref<1x1024xi32, #tpu.memory_space<hbm>> -> memref<1024xi32, #tpu.memory_space<hbm>>
        tpu.wait_dma2 semaphore(%arg13 : memref<!tpu.dma_semaphore, #tpu.memory_space<semaphore_mem>>) src(%dma_wait3A_274 : memref<1024xi32, #tpu.memory_space<hbm>>) dst(%arg6 : memref<1024xi32, #tpu.memory_space<vmem>>)
        %convert_element_type3A_275 = arith.extui %or3A_268 : i1 to i32
        %cond3A_276 = arith.constant 0 : i32
        %cond3A_277 = arith.cmpi ne, %convert_element_type3A_275, %cond3A_276 : i32
        scf.if %cond3A_277 {
          %dma_wait3A_454 = arith.constant 0 : i32
          %dma_wait3A_455 = arith.constant 0 : i32
          %dma_wait3A_456 = arith.constant 0 : i32
          %dma_wait3A_457 = tpu.memref_slice %arg4[%dma_wait3A_454, %dma_wait3A_455, %dma_wait3A_456] : memref<50x64x16384xf32, #tpu.memory_space<hbm>> -> memref<1x1x1024xf32, #tpu.memory_space<hbm>>
          %dma_wait3A_458 = tpu.memref_squeeze %dma_wait3A_457 : memref<1x1x1024xf32, #tpu.memory_space<hbm>> -> memref<1024xf32, #tpu.memory_space<hbm>>
          %dma_wait3A_459 = arith.constant 0 : i32
          %dma_wait3A_460 = tpu.memref_slice %arg4[%dma_wait3A_454, %dma_wait3A_455, %dma_wait3A_459] : memref<50x64x16384xf32, #tpu.memory_space<hbm>> -> memref<1x1x1024xf32, #tpu.memory_space<hbm>>
          %dma_wait3A_461 = tpu.memref_squeeze %dma_wait3A_460 : memref<1x1x1024xf32, #tpu.memory_space<hbm>> -> memref<1024xf32, #tpu.memory_space<hbm>>
          tpu.wait_dma2 semaphore(%arg18 : memref<!tpu.dma_semaphore, #tpu.memory_space<semaphore_mem>>) src(%arg9 : memref<1024xf32, #tpu.memory_space<vmem>>) dst(%dma_wait3A_461 : memref<1024xf32, #tpu.memory_space<hbm>>)
        } else {
        }
        %dma_start3A_278 = arith.constant 0 : i32
        %dma_start3A_279 = tpu.memref_slice %arg11[%dma_start3A_278] : memref<1000000xf32, #tpu.memory_space<vmem_shared>> -> memref<1000000xf32, #tpu.memory_space<vmem_shared>>
        tpu.enqueue_indirect_dma source(%dma_start3A_279 : memref<1000000xf32, #tpu.memory_space<vmem_shared>>) target(%arg9 : memref<1024xf32, #tpu.memory_space<vmem>>) offsets(%arg6 : memref<1024xi32, #tpu.memory_space<vmem>>) semaphore(%arg16 : memref<!tpu.dma_semaphore, #tpu.memory_space<semaphore_mem>>)
        %sub3A = arith.constant 1 : i32
        %sub3A_280 = arith.subi %add3A_263, %sub3A : i32
        %dma_wait3A_281 = arith.constant 0 : i32
        %dma_wait3A_282 = tpu.memref_slice %arg2[%scan3A_6, %dma_wait3A_281] : memref<64x1000000xf32, #tpu.memory_space<hbm>> -> memref<1x1024xf32, #tpu.memory_space<hbm>>
        %dma_wait3A_283 = tpu.memref_squeeze %dma_wait3A_282 : memref<1x1024xf32, #tpu.memory_space<hbm>> -> memref<1024xf32, #tpu.memory_space<hbm>>
        %dma_wait3A_284 = arith.constant 0 : i32
        %dma_wait3A_285 = tpu.memref_slice %arg2[%scan3A_6, %dma_wait3A_284] : memref<64x1000000xf32, #tpu.memory_space<hbm>> -> memref<1x1024xf32, #tpu.memory_space<hbm>>
        %dma_wait3A_286 = tpu.memref_squeeze %dma_wait3A_285 : memref<1x1024xf32, #tpu.memory_space<hbm>> -> memref<1024xf32, #tpu.memory_space<hbm>>
        tpu.wait_dma2 semaphore(%arg15 : memref<!tpu.dma_semaphore, #tpu.memory_space<semaphore_mem>>) src(%dma_wait3A_286 : memref<1024xf32, #tpu.memory_space<hbm>>) dst(%arg8 : memref<1024xf32, #tpu.memory_space<vmem>>)
        %dma_start3A_287 = tpu.memref_slice %arg4[%sub3A_280, %add3A_136, %mul3A_0] : memref<50x64x16384xf32, #tpu.memory_space<hbm>> -> memref<1x1x1024xf32, #tpu.memory_space<hbm>>
        %dma_start3A_288 = tpu.memref_squeeze %dma_start3A_287 : memref<1x1x1024xf32, #tpu.memory_space<hbm>> -> memref<1024xf32, #tpu.memory_space<hbm>>
        %dma_start3A_289 = tpu.memref_slice %arg4[%sub3A_280, %add3A_136, %mul3A_0] : memref<50x64x16384xf32, #tpu.memory_space<hbm>> -> memref<1x1x1024xf32, #tpu.memory_space<hbm>>
        %dma_start3A_290 = tpu.memref_squeeze %dma_start3A_289 : memref<1x1x1024xf32, #tpu.memory_space<hbm>> -> memref<1024xf32, #tpu.memory_space<hbm>>
        tpu.enqueue_dma source(%arg8 : memref<1024xf32, #tpu.memory_space<vmem>>) target(%dma_start3A_290 : memref<1024xf32, #tpu.memory_space<hbm>>) target_semaphore(%arg17 : memref<!tpu.dma_semaphore, #tpu.memory_space<semaphore_mem>>)
        %add3A_291 = arith.constant 2 : i32
        %add3A_292 = arith.addi %add3A_263, %add3A_291 : i32
        %lt3A_293 = arith.constant 50 : i32
        %lt3A_294 = arith.cmpi slt, %add3A_292, %lt3A_293 : i32
        %convert_element_type3A_295 = arith.extui %lt3A_294 : i1 to i32
        %cond3A_296 = arith.constant 0 : i32
        %cond3A_297 = arith.cmpi ne, %convert_element_type3A_295, %cond3A_296 : i32
        scf.if %cond3A_297 {
          %add3A_454 = arith.constant 2 : i32
          %add3A_455 = arith.addi %add3A_263, %add3A_454 : i32
          %dma_start3A_456 = tpu.memref_slice %arg3[%add3A_455, %mul3A_0] : memref<50x16384xi32, #tpu.memory_space<hbm>> -> memref<1x1024xi32, #tpu.memory_space<hbm>>
          %dma_start3A_457 = tpu.memref_squeeze %dma_start3A_456 : memref<1x1024xi32, #tpu.memory_space<hbm>> -> memref<1024xi32, #tpu.memory_space<hbm>>
          %dma_start3A_458 = tpu.memref_slice %arg3[%add3A_455, %mul3A_0] : memref<50x16384xi32, #tpu.memory_space<hbm>> -> memref<1x1024xi32, #tpu.memory_space<hbm>>
          %dma_start3A_459 = tpu.memref_squeeze %dma_start3A_458 : memref<1x1024xi32, #tpu.memory_space<hbm>> -> memref<1024xi32, #tpu.memory_space<hbm>>
          tpu.enqueue_dma source(%dma_start3A_459 : memref<1024xi32, #tpu.memory_space<hbm>>) target(%arg5 : memref<1024xi32, #tpu.memory_space<vmem>>) target_semaphore(%arg12 : memref<!tpu.dma_semaphore, #tpu.memory_space<semaphore_mem>>)
        } else {
        }
        %mul3A_298 = arith.constant 6 : i32
        %mul3A_299 = arith.muli %mul3A_298, %scan3A_236 : i32
        %add3A_300 = arith.constant 2 : i32
        %add3A_301 = arith.addi %mul3A_299, %add3A_300 : i32
        %dma_wait3A_302 = arith.constant 0 : i32
        %dma_wait3A_303 = tpu.memref_slice %arg3[%scan3A_5, %dma_wait3A_302] : memref<50x16384xi32, #tpu.memory_space<hbm>> -> memref<1x1024xi32, #tpu.memory_space<hbm>>
        %dma_wait3A_304 = tpu.memref_squeeze %dma_wait3A_303 : memref<1x1024xi32, #tpu.memory_space<hbm>> -> memref<1024xi32, #tpu.memory_space<hbm>>
        %dma_wait3A_305 = arith.constant 0 : i32
        %dma_wait3A_306 = tpu.memref_slice %arg3[%scan3A_5, %dma_wait3A_305] : memref<50x16384xi32, #tpu.memory_space<hbm>> -> memref<1x1024xi32, #tpu.memory_space<hbm>>
        %dma_wait3A_307 = tpu.memref_squeeze %dma_wait3A_306 : memref<1x1024xi32, #tpu.memory_space<hbm>> -> memref<1024xi32, #tpu.memory_space<hbm>>
        tpu.wait_dma2 semaphore(%arg14 : memref<!tpu.dma_semaphore, #tpu.memory_space<semaphore_mem>>) src(%dma_wait3A_307 : memref<1024xi32, #tpu.memory_space<hbm>>) dst(%arg7 : memref<1024xi32, #tpu.memory_space<vmem>>)
        %dma_wait3A_308 = arith.constant 0 : i32
        %dma_wait3A_309 = arith.constant 0 : i32
        %dma_wait3A_310 = arith.constant 0 : i32
        %dma_wait3A_311 = tpu.memref_slice %arg4[%dma_wait3A_308, %dma_wait3A_309, %dma_wait3A_310] : memref<50x64x16384xf32, #tpu.memory_space<hbm>> -> memref<1x1x1024xf32, #tpu.memory_space<hbm>>
        %dma_wait3A_312 = tpu.memref_squeeze %dma_wait3A_311 : memref<1x1x1024xf32, #tpu.memory_space<hbm>> -> memref<1024xf32, #tpu.memory_space<hbm>>
        %dma_wait3A_313 = arith.constant 0 : i32
        %dma_wait3A_314 = tpu.memref_slice %arg4[%dma_wait3A_308, %dma_wait3A_309, %dma_wait3A_313] : memref<50x64x16384xf32, #tpu.memory_space<hbm>> -> memref<1x1x1024xf32, #tpu.memory_space<hbm>>
        %dma_wait3A_315 = tpu.memref_squeeze %dma_wait3A_314 : memref<1x1x1024xf32, #tpu.memory_space<hbm>> -> memref<1024xf32, #tpu.memory_space<hbm>>
        tpu.wait_dma2 semaphore(%arg17 : memref<!tpu.dma_semaphore, #tpu.memory_space<semaphore_mem>>) src(%arg8 : memref<1024xf32, #tpu.memory_space<vmem>>) dst(%dma_wait3A_315 : memref<1024xf32, #tpu.memory_space<hbm>>)
        %dma_start3A_316 = arith.constant 0 : i32
        %dma_start3A_317 = tpu.memref_slice %arg11[%dma_start3A_316] : memref<1000000xf32, #tpu.memory_space<vmem_shared>> -> memref<1000000xf32, #tpu.memory_space<vmem_shared>>
        tpu.enqueue_indirect_dma source(%dma_start3A_317 : memref<1000000xf32, #tpu.memory_space<vmem_shared>>) target(%arg8 : memref<1024xf32, #tpu.memory_space<vmem>>) offsets(%arg7 : memref<1024xi32, #tpu.memory_space<vmem>>) semaphore(%arg15 : memref<!tpu.dma_semaphore, #tpu.memory_space<semaphore_mem>>)
        %sub3A_318 = arith.constant 1 : i32
        %sub3A_319 = arith.subi %add3A_301, %sub3A_318 : i32
        %dma_wait3A_320 = arith.constant 0 : i32
        %dma_wait3A_321 = tpu.memref_slice %arg2[%scan3A_6, %dma_wait3A_320] : memref<64x1000000xf32, #tpu.memory_space<hbm>> -> memref<1x1024xf32, #tpu.memory_space<hbm>>
        %dma_wait3A_322 = tpu.memref_squeeze %dma_wait3A_321 : memref<1x1024xf32, #tpu.memory_space<hbm>> -> memref<1024xf32, #tpu.memory_space<hbm>>
        %dma_wait3A_323 = arith.constant 0 : i32
        %dma_wait3A_324 = tpu.memref_slice %arg2[%scan3A_6, %dma_wait3A_323] : memref<64x1000000xf32, #tpu.memory_space<hbm>> -> memref<1x1024xf32, #tpu.memory_space<hbm>>
        %dma_wait3A_325 = tpu.memref_squeeze %dma_wait3A_324 : memref<1x1024xf32, #tpu.memory_space<hbm>> -> memref<1024xf32, #tpu.memory_space<hbm>>
        tpu.wait_dma2 semaphore(%arg16 : memref<!tpu.dma_semaphore, #tpu.memory_space<semaphore_mem>>) src(%dma_wait3A_325 : memref<1024xf32, #tpu.memory_space<hbm>>) dst(%arg9 : memref<1024xf32, #tpu.memory_space<vmem>>)
        %dma_start3A_326 = tpu.memref_slice %arg4[%sub3A_319, %add3A_136, %mul3A_0] : memref<50x64x16384xf32, #tpu.memory_space<hbm>> -> memref<1x1x1024xf32, #tpu.memory_space<hbm>>
        %dma_start3A_327 = tpu.memref_squeeze %dma_start3A_326 : memref<1x1x1024xf32, #tpu.memory_space<hbm>> -> memref<1024xf32, #tpu.memory_space<hbm>>
        %dma_start3A_328 = tpu.memref_slice %arg4[%sub3A_319, %add3A_136, %mul3A_0] : memref<50x64x16384xf32, #tpu.memory_space<hbm>> -> memref<1x1x1024xf32, #tpu.memory_space<hbm>>
        %dma_start3A_329 = tpu.memref_squeeze %dma_start3A_328 : memref<1x1x1024xf32, #tpu.memory_space<hbm>> -> memref<1024xf32, #tpu.memory_space<hbm>>
        tpu.enqueue_dma source(%arg9 : memref<1024xf32, #tpu.memory_space<vmem>>) target(%dma_start3A_329 : memref<1024xf32, #tpu.memory_space<hbm>>) target_semaphore(%arg18 : memref<!tpu.dma_semaphore, #tpu.memory_space<semaphore_mem>>)
        %add3A_330 = arith.constant 2 : i32
        %add3A_331 = arith.addi %add3A_301, %add3A_330 : i32
        %lt3A_332 = arith.constant 50 : i32
        %lt3A_333 = arith.cmpi slt, %add3A_331, %lt3A_332 : i32
        %convert_element_type3A_334 = arith.extui %lt3A_333 : i1 to i32
        %cond3A_335 = arith.constant 0 : i32
        %cond3A_336 = arith.cmpi ne, %convert_element_type3A_334, %cond3A_335 : i32
        scf.if %cond3A_336 {
          %add3A_454 = arith.constant 2 : i32
          %add3A_455 = arith.addi %add3A_301, %add3A_454 : i32
          %dma_start3A_456 = tpu.memref_slice %arg3[%add3A_455, %mul3A_0] : memref<50x16384xi32, #tpu.memory_space<hbm>> -> memref<1x1024xi32, #tpu.memory_space<hbm>>
          %dma_start3A_457 = tpu.memref_squeeze %dma_start3A_456 : memref<1x1024xi32, #tpu.memory_space<hbm>> -> memref<1024xi32, #tpu.memory_space<hbm>>
          %dma_start3A_458 = tpu.memref_slice %arg3[%add3A_455, %mul3A_0] : memref<50x16384xi32, #tpu.memory_space<hbm>> -> memref<1x1024xi32, #tpu.memory_space<hbm>>
          %dma_start3A_459 = tpu.memref_squeeze %dma_start3A_458 : memref<1x1024xi32, #tpu.memory_space<hbm>> -> memref<1024xi32, #tpu.memory_space<hbm>>
          tpu.enqueue_dma source(%dma_start3A_459 : memref<1024xi32, #tpu.memory_space<hbm>>) target(%arg6 : memref<1024xi32, #tpu.memory_space<vmem>>) target_semaphore(%arg13 : memref<!tpu.dma_semaphore, #tpu.memory_space<semaphore_mem>>)
        } else {
        }
        %mul3A_337 = arith.constant 6 : i32
        %mul3A_338 = arith.muli %mul3A_337, %scan3A_236 : i32
        %add3A_339 = arith.constant 3 : i32
        %add3A_340 = arith.addi %mul3A_338, %add3A_339 : i32
        %dma_wait3A_341 = arith.constant 0 : i32
        %dma_wait3A_342 = tpu.memref_slice %arg3[%scan3A_5, %dma_wait3A_341] : memref<50x16384xi32, #tpu.memory_space<hbm>> -> memref<1x1024xi32, #tpu.memory_space<hbm>>
        %dma_wait3A_343 = tpu.memref_squeeze %dma_wait3A_342 : memref<1x1024xi32, #tpu.memory_space<hbm>> -> memref<1024xi32, #tpu.memory_space<hbm>>
        %dma_wait3A_344 = arith.constant 0 : i32
        %dma_wait3A_345 = tpu.memref_slice %arg3[%scan3A_5, %dma_wait3A_344] : memref<50x16384xi32, #tpu.memory_space<hbm>> -> memref<1x1024xi32, #tpu.memory_space<hbm>>
        %dma_wait3A_346 = tpu.memref_squeeze %dma_wait3A_345 : memref<1x1024xi32, #tpu.memory_space<hbm>> -> memref<1024xi32, #tpu.memory_space<hbm>>
        tpu.wait_dma2 semaphore(%arg12 : memref<!tpu.dma_semaphore, #tpu.memory_space<semaphore_mem>>) src(%dma_wait3A_346 : memref<1024xi32, #tpu.memory_space<hbm>>) dst(%arg5 : memref<1024xi32, #tpu.memory_space<vmem>>)
        %dma_wait3A_347 = arith.constant 0 : i32
        %dma_wait3A_348 = arith.constant 0 : i32
        %dma_wait3A_349 = arith.constant 0 : i32
        %dma_wait3A_350 = tpu.memref_slice %arg4[%dma_wait3A_347, %dma_wait3A_348, %dma_wait3A_349] : memref<50x64x16384xf32, #tpu.memory_space<hbm>> -> memref<1x1x1024xf32, #tpu.memory_space<hbm>>
        %dma_wait3A_351 = tpu.memref_squeeze %dma_wait3A_350 : memref<1x1x1024xf32, #tpu.memory_space<hbm>> -> memref<1024xf32, #tpu.memory_space<hbm>>
        %dma_wait3A_352 = arith.constant 0 : i32
        %dma_wait3A_353 = tpu.memref_slice %arg4[%dma_wait3A_347, %dma_wait3A_348, %dma_wait3A_352] : memref<50x64x16384xf32, #tpu.memory_space<hbm>> -> memref<1x1x1024xf32, #tpu.memory_space<hbm>>
        %dma_wait3A_354 = tpu.memref_squeeze %dma_wait3A_353 : memref<1x1x1024xf32, #tpu.memory_space<hbm>> -> memref<1024xf32, #tpu.memory_space<hbm>>
        tpu.wait_dma2 semaphore(%arg18 : memref<!tpu.dma_semaphore, #tpu.memory_space<semaphore_mem>>) src(%arg9 : memref<1024xf32, #tpu.memory_space<vmem>>) dst(%dma_wait3A_354 : memref<1024xf32, #tpu.memory_space<hbm>>)
        %dma_start3A_355 = arith.constant 0 : i32
        %dma_start3A_356 = tpu.memref_slice %arg11[%dma_start3A_355] : memref<1000000xf32, #tpu.memory_space<vmem_shared>> -> memref<1000000xf32, #tpu.memory_space<vmem_shared>>
        tpu.enqueue_indirect_dma source(%dma_start3A_356 : memref<1000000xf32, #tpu.memory_space<vmem_shared>>) target(%arg9 : memref<1024xf32, #tpu.memory_space<vmem>>) offsets(%arg5 : memref<1024xi32, #tpu.memory_space<vmem>>) semaphore(%arg16 : memref<!tpu.dma_semaphore, #tpu.memory_space<semaphore_mem>>)
        %sub3A_357 = arith.constant 1 : i32
        %sub3A_358 = arith.subi %add3A_340, %sub3A_357 : i32
        %dma_wait3A_359 = arith.constant 0 : i32
        %dma_wait3A_360 = tpu.memref_slice %arg2[%scan3A_6, %dma_wait3A_359] : memref<64x1000000xf32, #tpu.memory_space<hbm>> -> memref<1x1024xf32, #tpu.memory_space<hbm>>
        %dma_wait3A_361 = tpu.memref_squeeze %dma_wait3A_360 : memref<1x1024xf32, #tpu.memory_space<hbm>> -> memref<1024xf32, #tpu.memory_space<hbm>>
        %dma_wait3A_362 = arith.constant 0 : i32
        %dma_wait3A_363 = tpu.memref_slice %arg2[%scan3A_6, %dma_wait3A_362] : memref<64x1000000xf32, #tpu.memory_space<hbm>> -> memref<1x1024xf32, #tpu.memory_space<hbm>>
        %dma_wait3A_364 = tpu.memref_squeeze %dma_wait3A_363 : memref<1x1024xf32, #tpu.memory_space<hbm>> -> memref<1024xf32, #tpu.memory_space<hbm>>
        tpu.wait_dma2 semaphore(%arg15 : memref<!tpu.dma_semaphore, #tpu.memory_space<semaphore_mem>>) src(%dma_wait3A_364 : memref<1024xf32, #tpu.memory_space<hbm>>) dst(%arg8 : memref<1024xf32, #tpu.memory_space<vmem>>)
        %dma_start3A_365 = tpu.memref_slice %arg4[%sub3A_358, %add3A_136, %mul3A_0] : memref<50x64x16384xf32, #tpu.memory_space<hbm>> -> memref<1x1x1024xf32, #tpu.memory_space<hbm>>
        %dma_start3A_366 = tpu.memref_squeeze %dma_start3A_365 : memref<1x1x1024xf32, #tpu.memory_space<hbm>> -> memref<1024xf32, #tpu.memory_space<hbm>>
        %dma_start3A_367 = tpu.memref_slice %arg4[%sub3A_358, %add3A_136, %mul3A_0] : memref<50x64x16384xf32, #tpu.memory_space<hbm>> -> memref<1x1x1024xf32, #tpu.memory_space<hbm>>
        %dma_start3A_368 = tpu.memref_squeeze %dma_start3A_367 : memref<1x1x1024xf32, #tpu.memory_space<hbm>> -> memref<1024xf32, #tpu.memory_space<hbm>>
        tpu.enqueue_dma source(%arg8 : memref<1024xf32, #tpu.memory_space<vmem>>) target(%dma_start3A_368 : memref<1024xf32, #tpu.memory_space<hbm>>) target_semaphore(%arg17 : memref<!tpu.dma_semaphore, #tpu.memory_space<semaphore_mem>>)
        %add3A_369 = arith.constant 2 : i32
        %add3A_370 = arith.addi %add3A_340, %add3A_369 : i32
        %lt3A_371 = arith.constant 50 : i32
        %lt3A_372 = arith.cmpi slt, %add3A_370, %lt3A_371 : i32
        %convert_element_type3A_373 = arith.extui %lt3A_372 : i1 to i32
        %cond3A_374 = arith.constant 0 : i32
        %cond3A_375 = arith.cmpi ne, %convert_element_type3A_373, %cond3A_374 : i32
        scf.if %cond3A_375 {
          %add3A_454 = arith.constant 2 : i32
          %add3A_455 = arith.addi %add3A_340, %add3A_454 : i32
          %dma_start3A_456 = tpu.memref_slice %arg3[%add3A_455, %mul3A_0] : memref<50x16384xi32, #tpu.memory_space<hbm>> -> memref<1x1024xi32, #tpu.memory_space<hbm>>
          %dma_start3A_457 = tpu.memref_squeeze %dma_start3A_456 : memref<1x1024xi32, #tpu.memory_space<hbm>> -> memref<1024xi32, #tpu.memory_space<hbm>>
          %dma_start3A_458 = tpu.memref_slice %arg3[%add3A_455, %mul3A_0] : memref<50x16384xi32, #tpu.memory_space<hbm>> -> memref<1x1024xi32, #tpu.memory_space<hbm>>
          %dma_start3A_459 = tpu.memref_squeeze %dma_start3A_458 : memref<1x1024xi32, #tpu.memory_space<hbm>> -> memref<1024xi32, #tpu.memory_space<hbm>>
          tpu.enqueue_dma source(%dma_start3A_459 : memref<1024xi32, #tpu.memory_space<hbm>>) target(%arg7 : memref<1024xi32, #tpu.memory_space<vmem>>) target_semaphore(%arg14 : memref<!tpu.dma_semaphore, #tpu.memory_space<semaphore_mem>>)
        } else {
        }
        %mul3A_376 = arith.constant 6 : i32
        %mul3A_377 = arith.muli %mul3A_376, %scan3A_236 : i32
        %add3A_378 = arith.constant 4 : i32
        %add3A_379 = arith.addi %mul3A_377, %add3A_378 : i32
        %dma_wait3A_380 = arith.constant 0 : i32
        %dma_wait3A_381 = tpu.memref_slice %arg3[%scan3A_5, %dma_wait3A_380] : memref<50x16384xi32, #tpu.memory_space<hbm>> -> memref<1x1024xi32, #tpu.memory_space<hbm>>
        %dma_wait3A_382 = tpu.memref_squeeze %dma_wait3A_381 : memref<1x1024xi32, #tpu.memory_space<hbm>> -> memref<1024xi32, #tpu.memory_space<hbm>>
        %dma_wait3A_383 = arith.constant 0 : i32
        %dma_wait3A_384 = tpu.memref_slice %arg3[%scan3A_5, %dma_wait3A_383] : memref<50x16384xi32, #tpu.memory_space<hbm>> -> memref<1x1024xi32, #tpu.memory_space<hbm>>
        %dma_wait3A_385 = tpu.memref_squeeze %dma_wait3A_384 : memref<1x1024xi32, #tpu.memory_space<hbm>> -> memref<1024xi32, #tpu.memory_space<hbm>>
        tpu.wait_dma2 semaphore(%arg13 : memref<!tpu.dma_semaphore, #tpu.memory_space<semaphore_mem>>) src(%dma_wait3A_385 : memref<1024xi32, #tpu.memory_space<hbm>>) dst(%arg6 : memref<1024xi32, #tpu.memory_space<vmem>>)
        %dma_wait3A_386 = arith.constant 0 : i32
        %dma_wait3A_387 = arith.constant 0 : i32
        %dma_wait3A_388 = arith.constant 0 : i32
        %dma_wait3A_389 = tpu.memref_slice %arg4[%dma_wait3A_386, %dma_wait3A_387, %dma_wait3A_388] : memref<50x64x16384xf32, #tpu.memory_space<hbm>> -> memref<1x1x1024xf32, #tpu.memory_space<hbm>>
        %dma_wait3A_390 = tpu.memref_squeeze %dma_wait3A_389 : memref<1x1x1024xf32, #tpu.memory_space<hbm>> -> memref<1024xf32, #tpu.memory_space<hbm>>
        %dma_wait3A_391 = arith.constant 0 : i32
        %dma_wait3A_392 = tpu.memref_slice %arg4[%dma_wait3A_386, %dma_wait3A_387, %dma_wait3A_391] : memref<50x64x16384xf32, #tpu.memory_space<hbm>> -> memref<1x1x1024xf32, #tpu.memory_space<hbm>>
        %dma_wait3A_393 = tpu.memref_squeeze %dma_wait3A_392 : memref<1x1x1024xf32, #tpu.memory_space<hbm>> -> memref<1024xf32, #tpu.memory_space<hbm>>
        tpu.wait_dma2 semaphore(%arg17 : memref<!tpu.dma_semaphore, #tpu.memory_space<semaphore_mem>>) src(%arg8 : memref<1024xf32, #tpu.memory_space<vmem>>) dst(%dma_wait3A_393 : memref<1024xf32, #tpu.memory_space<hbm>>)
        %dma_start3A_394 = arith.constant 0 : i32
        %dma_start3A_395 = tpu.memref_slice %arg11[%dma_start3A_394] : memref<1000000xf32, #tpu.memory_space<vmem_shared>> -> memref<1000000xf32, #tpu.memory_space<vmem_shared>>
        tpu.enqueue_indirect_dma source(%dma_start3A_395 : memref<1000000xf32, #tpu.memory_space<vmem_shared>>) target(%arg8 : memref<1024xf32, #tpu.memory_space<vmem>>) offsets(%arg6 : memref<1024xi32, #tpu.memory_space<vmem>>) semaphore(%arg15 : memref<!tpu.dma_semaphore, #tpu.memory_space<semaphore_mem>>)
        %sub3A_396 = arith.constant 1 : i32
        %sub3A_397 = arith.subi %add3A_379, %sub3A_396 : i32
        %dma_wait3A_398 = arith.constant 0 : i32
        %dma_wait3A_399 = tpu.memref_slice %arg2[%scan3A_6, %dma_wait3A_398] : memref<64x1000000xf32, #tpu.memory_space<hbm>> -> memref<1x1024xf32, #tpu.memory_space<hbm>>
        %dma_wait3A_400 = tpu.memref_squeeze %dma_wait3A_399 : memref<1x1024xf32, #tpu.memory_space<hbm>> -> memref<1024xf32, #tpu.memory_space<hbm>>
        %dma_wait3A_401 = arith.constant 0 : i32
        %dma_wait3A_402 = tpu.memref_slice %arg2[%scan3A_6, %dma_wait3A_401] : memref<64x1000000xf32, #tpu.memory_space<hbm>> -> memref<1x1024xf32, #tpu.memory_space<hbm>>
        %dma_wait3A_403 = tpu.memref_squeeze %dma_wait3A_402 : memref<1x1024xf32, #tpu.memory_space<hbm>> -> memref<1024xf32, #tpu.memory_space<hbm>>
        tpu.wait_dma2 semaphore(%arg16 : memref<!tpu.dma_semaphore, #tpu.memory_space<semaphore_mem>>) src(%dma_wait3A_403 : memref<1024xf32, #tpu.memory_space<hbm>>) dst(%arg9 : memref<1024xf32, #tpu.memory_space<vmem>>)
        %dma_start3A_404 = tpu.memref_slice %arg4[%sub3A_397, %add3A_136, %mul3A_0] : memref<50x64x16384xf32, #tpu.memory_space<hbm>> -> memref<1x1x1024xf32, #tpu.memory_space<hbm>>
        %dma_start3A_405 = tpu.memref_squeeze %dma_start3A_404 : memref<1x1x1024xf32, #tpu.memory_space<hbm>> -> memref<1024xf32, #tpu.memory_space<hbm>>
        %dma_start3A_406 = tpu.memref_slice %arg4[%sub3A_397, %add3A_136, %mul3A_0] : memref<50x64x16384xf32, #tpu.memory_space<hbm>> -> memref<1x1x1024xf32, #tpu.memory_space<hbm>>
        %dma_start3A_407 = tpu.memref_squeeze %dma_start3A_406 : memref<1x1x1024xf32, #tpu.memory_space<hbm>> -> memref<1024xf32, #tpu.memory_space<hbm>>
        tpu.enqueue_dma source(%arg9 : memref<1024xf32, #tpu.memory_space<vmem>>) target(%dma_start3A_407 : memref<1024xf32, #tpu.memory_space<hbm>>) target_semaphore(%arg18 : memref<!tpu.dma_semaphore, #tpu.memory_space<semaphore_mem>>)
        %add3A_408 = arith.constant 2 : i32
        %add3A_409 = arith.addi %add3A_379, %add3A_408 : i32
        %lt3A_410 = arith.constant 50 : i32
        %lt3A_411 = arith.cmpi slt, %add3A_409, %lt3A_410 : i32
        %convert_element_type3A_412 = arith.extui %lt3A_411 : i1 to i32
        %cond3A_413 = arith.constant 0 : i32
        %cond3A_414 = arith.cmpi ne, %convert_element_type3A_412, %cond3A_413 : i32
        scf.if %cond3A_414 {
          %add3A_454 = arith.constant 2 : i32
          %add3A_455 = arith.addi %add3A_379, %add3A_454 : i32
          %dma_start3A_456 = tpu.memref_slice %arg3[%add3A_455, %mul3A_0] : memref<50x16384xi32, #tpu.memory_space<hbm>> -> memref<1x1024xi32, #tpu.memory_space<hbm>>
          %dma_start3A_457 = tpu.memref_squeeze %dma_start3A_456 : memref<1x1024xi32, #tpu.memory_space<hbm>> -> memref<1024xi32, #tpu.memory_space<hbm>>
          %dma_start3A_458 = tpu.memref_slice %arg3[%add3A_455, %mul3A_0] : memref<50x16384xi32, #tpu.memory_space<hbm>> -> memref<1x1024xi32, #tpu.memory_space<hbm>>
          %dma_start3A_459 = tpu.memref_squeeze %dma_start3A_458 : memref<1x1024xi32, #tpu.memory_space<hbm>> -> memref<1024xi32, #tpu.memory_space<hbm>>
          tpu.enqueue_dma source(%dma_start3A_459 : memref<1024xi32, #tpu.memory_space<hbm>>) target(%arg5 : memref<1024xi32, #tpu.memory_space<vmem>>) target_semaphore(%arg12 : memref<!tpu.dma_semaphore, #tpu.memory_space<semaphore_mem>>)
        } else {
        }
        %mul3A_415 = arith.constant 6 : i32
        %mul3A_416 = arith.muli %mul3A_415, %scan3A_236 : i32
        %add3A_417 = arith.constant 5 : i32
        %add3A_418 = arith.addi %mul3A_416, %add3A_417 : i32
        %dma_wait3A_419 = arith.constant 0 : i32
        %dma_wait3A_420 = tpu.memref_slice %arg3[%scan3A_5, %dma_wait3A_419] : memref<50x16384xi32, #tpu.memory_space<hbm>> -> memref<1x1024xi32, #tpu.memory_space<hbm>>
        %dma_wait3A_421 = tpu.memref_squeeze %dma_wait3A_420 : memref<1x1024xi32, #tpu.memory_space<hbm>> -> memref<1024xi32, #tpu.memory_space<hbm>>
        %dma_wait3A_422 = arith.constant 0 : i32
        %dma_wait3A_423 = tpu.memref_slice %arg3[%scan3A_5, %dma_wait3A_422] : memref<50x16384xi32, #tpu.memory_space<hbm>> -> memref<1x1024xi32, #tpu.memory_space<hbm>>
        %dma_wait3A_424 = tpu.memref_squeeze %dma_wait3A_423 : memref<1x1024xi32, #tpu.memory_space<hbm>> -> memref<1024xi32, #tpu.memory_space<hbm>>
        tpu.wait_dma2 semaphore(%arg14 : memref<!tpu.dma_semaphore, #tpu.memory_space<semaphore_mem>>) src(%dma_wait3A_424 : memref<1024xi32, #tpu.memory_space<hbm>>) dst(%arg7 : memref<1024xi32, #tpu.memory_space<vmem>>)
        %dma_wait3A_425 = arith.constant 0 : i32
        %dma_wait3A_426 = arith.constant 0 : i32
        %dma_wait3A_427 = arith.constant 0 : i32
        %dma_wait3A_428 = tpu.memref_slice %arg4[%dma_wait3A_425, %dma_wait3A_426, %dma_wait3A_427] : memref<50x64x16384xf32, #tpu.memory_space<hbm>> -> memref<1x1x1024xf32, #tpu.memory_space<hbm>>
        %dma_wait3A_429 = tpu.memref_squeeze %dma_wait3A_428 : memref<1x1x1024xf32, #tpu.memory_space<hbm>> -> memref<1024xf32, #tpu.memory_space<hbm>>
        %dma_wait3A_430 = arith.constant 0 : i32
        %dma_wait3A_431 = tpu.memref_slice %arg4[%dma_wait3A_425, %dma_wait3A_426, %dma_wait3A_430] : memref<50x64x16384xf32, #tpu.memory_space<hbm>> -> memref<1x1x1024xf32, #tpu.memory_space<hbm>>
        %dma_wait3A_432 = tpu.memref_squeeze %dma_wait3A_431 : memref<1x1x1024xf32, #tpu.memory_space<hbm>> -> memref<1024xf32, #tpu.memory_space<hbm>>
        tpu.wait_dma2 semaphore(%arg18 : memref<!tpu.dma_semaphore, #tpu.memory_space<semaphore_mem>>) src(%arg9 : memref<1024xf32, #tpu.memory_space<vmem>>) dst(%dma_wait3A_432 : memref<1024xf32, #tpu.memory_space<hbm>>)
        %dma_start3A_433 = arith.constant 0 : i32
        %dma_start3A_434 = tpu.memref_slice %arg11[%dma_start3A_433] : memref<1000000xf32, #tpu.memory_space<vmem_shared>> -> memref<1000000xf32, #tpu.memory_space<vmem_shared>>
        tpu.enqueue_indirect_dma source(%dma_start3A_434 : memref<1000000xf32, #tpu.memory_space<vmem_shared>>) target(%arg9 : memref<1024xf32, #tpu.memory_space<vmem>>) offsets(%arg7 : memref<1024xi32, #tpu.memory_space<vmem>>) semaphore(%arg16 : memref<!tpu.dma_semaphore, #tpu.memory_space<semaphore_mem>>)
        %sub3A_435 = arith.constant 1 : i32
        %sub3A_436 = arith.subi %add3A_418, %sub3A_435 : i32
        %dma_wait3A_437 = arith.constant 0 : i32
        %dma_wait3A_438 = tpu.memref_slice %arg2[%scan3A_6, %dma_wait3A_437] : memref<64x1000000xf32, #tpu.memory_space<hbm>> -> memref<1x1024xf32, #tpu.memory_space<hbm>>
        %dma_wait3A_439 = tpu.memref_squeeze %dma_wait3A_438 : memref<1x1024xf32, #tpu.memory_space<hbm>> -> memref<1024xf32, #tpu.memory_space<hbm>>
        %dma_wait3A_440 = arith.constant 0 : i32
        %dma_wait3A_441 = tpu.memref_slice %arg2[%scan3A_6, %dma_wait3A_440] : memref<64x1000000xf32, #tpu.memory_space<hbm>> -> memref<1x1024xf32, #tpu.memory_space<hbm>>
        %dma_wait3A_442 = tpu.memref_squeeze %dma_wait3A_441 : memref<1x1024xf32, #tpu.memory_space<hbm>> -> memref<1024xf32, #tpu.memory_space<hbm>>
        tpu.wait_dma2 semaphore(%arg15 : memref<!tpu.dma_semaphore, #tpu.memory_space<semaphore_mem>>) src(%dma_wait3A_442 : memref<1024xf32, #tpu.memory_space<hbm>>) dst(%arg8 : memref<1024xf32, #tpu.memory_space<vmem>>)
        %dma_start3A_443 = tpu.memref_slice %arg4[%sub3A_436, %add3A_136, %mul3A_0] : memref<50x64x16384xf32, #tpu.memory_space<hbm>> -> memref<1x1x1024xf32, #tpu.memory_space<hbm>>
        %dma_start3A_444 = tpu.memref_squeeze %dma_start3A_443 : memref<1x1x1024xf32, #tpu.memory_space<hbm>> -> memref<1024xf32, #tpu.memory_space<hbm>>
        %dma_start3A_445 = tpu.memref_slice %arg4[%sub3A_436, %add3A_136, %mul3A_0] : memref<50x64x16384xf32, #tpu.memory_space<hbm>> -> memref<1x1x1024xf32, #tpu.memory_space<hbm>>
        %dma_start3A_446 = tpu.memref_squeeze %dma_start3A_445 : memref<1x1x1024xf32, #tpu.memory_space<hbm>> -> memref<1024xf32, #tpu.memory_space<hbm>>
        tpu.enqueue_dma source(%arg8 : memref<1024xf32, #tpu.memory_space<vmem>>) target(%dma_start3A_446 : memref<1024xf32, #tpu.memory_space<hbm>>) target_semaphore(%arg17 : memref<!tpu.dma_semaphore, #tpu.memory_space<semaphore_mem>>)
        %add3A_447 = arith.constant 2 : i32
        %add3A_448 = arith.addi %add3A_418, %add3A_447 : i32
        %lt3A_449 = arith.constant 50 : i32
        %lt3A_450 = arith.cmpi slt, %add3A_448, %lt3A_449 : i32
        %convert_element_type3A_451 = arith.extui %lt3A_450 : i1 to i32
        %cond3A_452 = arith.constant 0 : i32
        %cond3A_453 = arith.cmpi ne, %convert_element_type3A_451, %cond3A_452 : i32
        scf.if %cond3A_453 {
          %add3A_454 = arith.constant 2 : i32
          %add3A_455 = arith.addi %add3A_418, %add3A_454 : i32
          %dma_start3A_456 = tpu.memref_slice %arg3[%add3A_455, %mul3A_0] : memref<50x16384xi32, #tpu.memory_space<hbm>> -> memref<1x1024xi32, #tpu.memory_space<hbm>>
          %dma_start3A_457 = tpu.memref_squeeze %dma_start3A_456 : memref<1x1024xi32, #tpu.memory_space<hbm>> -> memref<1024xi32, #tpu.memory_space<hbm>>
          %dma_start3A_458 = tpu.memref_slice %arg3[%add3A_455, %mul3A_0] : memref<50x16384xi32, #tpu.memory_space<hbm>> -> memref<1x1024xi32, #tpu.memory_space<hbm>>
          %dma_start3A_459 = tpu.memref_squeeze %dma_start3A_458 : memref<1x1024xi32, #tpu.memory_space<hbm>> -> memref<1024xi32, #tpu.memory_space<hbm>>
          tpu.enqueue_dma source(%dma_start3A_459 : memref<1024xi32, #tpu.memory_space<hbm>>) target(%arg6 : memref<1024xi32, #tpu.memory_space<vmem>>) target_semaphore(%arg13 : memref<!tpu.dma_semaphore, #tpu.memory_space<semaphore_mem>>)
        } else {
        }
      }
      %scan3A_162 = arith.constant 8 : i32
      %dma_wait3A_163 = arith.constant 0 : i32
      %dma_wait3A_164 = tpu.memref_slice %arg3[%scan3A_5, %dma_wait3A_163] : memref<50x16384xi32, #tpu.memory_space<hbm>> -> memref<1x1024xi32, #tpu.memory_space<hbm>>
      %dma_wait3A_165 = tpu.memref_squeeze %dma_wait3A_164 : memref<1x1024xi32, #tpu.memory_space<hbm>> -> memref<1024xi32, #tpu.memory_space<hbm>>
      %dma_wait3A_166 = arith.constant 0 : i32
      %dma_wait3A_167 = tpu.memref_slice %arg3[%scan3A_5, %dma_wait3A_166] : memref<50x16384xi32, #tpu.memory_space<hbm>> -> memref<1x1024xi32, #tpu.memory_space<hbm>>
      %dma_wait3A_168 = tpu.memref_squeeze %dma_wait3A_167 : memref<1x1024xi32, #tpu.memory_space<hbm>> -> memref<1024xi32, #tpu.memory_space<hbm>>
      tpu.wait_dma2 semaphore(%arg12 : memref<!tpu.dma_semaphore, #tpu.memory_space<semaphore_mem>>) src(%dma_wait3A_168 : memref<1024xi32, #tpu.memory_space<hbm>>) dst(%arg5 : memref<1024xi32, #tpu.memory_space<vmem>>)
      %dma_wait3A_169 = arith.constant 0 : i32
      %dma_wait3A_170 = arith.constant 0 : i32
      %dma_wait3A_171 = arith.constant 0 : i32
      %dma_wait3A_172 = tpu.memref_slice %arg4[%dma_wait3A_169, %dma_wait3A_170, %dma_wait3A_171] : memref<50x64x16384xf32, #tpu.memory_space<hbm>> -> memref<1x1x1024xf32, #tpu.memory_space<hbm>>
      %dma_wait3A_173 = tpu.memref_squeeze %dma_wait3A_172 : memref<1x1x1024xf32, #tpu.memory_space<hbm>> -> memref<1024xf32, #tpu.memory_space<hbm>>
      %dma_wait3A_174 = arith.constant 0 : i32
      %dma_wait3A_175 = tpu.memref_slice %arg4[%dma_wait3A_169, %dma_wait3A_170, %dma_wait3A_174] : memref<50x64x16384xf32, #tpu.memory_space<hbm>> -> memref<1x1x1024xf32, #tpu.memory_space<hbm>>
      %dma_wait3A_176 = tpu.memref_squeeze %dma_wait3A_175 : memref<1x1x1024xf32, #tpu.memory_space<hbm>> -> memref<1024xf32, #tpu.memory_space<hbm>>
      tpu.wait_dma2 semaphore(%arg17 : memref<!tpu.dma_semaphore, #tpu.memory_space<semaphore_mem>>) src(%arg8 : memref<1024xf32, #tpu.memory_space<vmem>>) dst(%dma_wait3A_176 : memref<1024xf32, #tpu.memory_space<hbm>>)
      %dma_start3A_177 = arith.constant 0 : i32
      %dma_start3A_178 = tpu.memref_slice %arg11[%dma_start3A_177] : memref<1000000xf32, #tpu.memory_space<vmem_shared>> -> memref<1000000xf32, #tpu.memory_space<vmem_shared>>
      tpu.enqueue_indirect_dma source(%dma_start3A_178 : memref<1000000xf32, #tpu.memory_space<vmem_shared>>) target(%arg8 : memref<1024xf32, #tpu.memory_space<vmem>>) offsets(%arg5 : memref<1024xi32, #tpu.memory_space<vmem>>) semaphore(%arg15 : memref<!tpu.dma_semaphore, #tpu.memory_space<semaphore_mem>>)
      %dma_wait3A_179 = arith.constant 0 : i32
      %dma_wait3A_180 = tpu.memref_slice %arg2[%scan3A_6, %dma_wait3A_179] : memref<64x1000000xf32, #tpu.memory_space<hbm>> -> memref<1x1024xf32, #tpu.memory_space<hbm>>
      %dma_wait3A_181 = tpu.memref_squeeze %dma_wait3A_180 : memref<1x1024xf32, #tpu.memory_space<hbm>> -> memref<1024xf32, #tpu.memory_space<hbm>>
      %dma_wait3A_182 = arith.constant 0 : i32
      %dma_wait3A_183 = tpu.memref_slice %arg2[%scan3A_6, %dma_wait3A_182] : memref<64x1000000xf32, #tpu.memory_space<hbm>> -> memref<1x1024xf32, #tpu.memory_space<hbm>>
      %dma_wait3A_184 = tpu.memref_squeeze %dma_wait3A_183 : memref<1x1024xf32, #tpu.memory_space<hbm>> -> memref<1024xf32, #tpu.memory_space<hbm>>
      tpu.wait_dma2 semaphore(%arg16 : memref<!tpu.dma_semaphore, #tpu.memory_space<semaphore_mem>>) src(%dma_wait3A_184 : memref<1024xf32, #tpu.memory_space<hbm>>) dst(%arg9 : memref<1024xf32, #tpu.memory_space<vmem>>)
      %dma_start3A_185 = arith.constant 47 : i32
      %dma_start3A_186 = tpu.memref_slice %arg4[%dma_start3A_185, %add3A_136, %mul3A_0] : memref<50x64x16384xf32, #tpu.memory_space<hbm>> -> memref<1x1x1024xf32, #tpu.memory_space<hbm>>
      %dma_start3A_187 = tpu.memref_squeeze %dma_start3A_186 : memref<1x1x1024xf32, #tpu.memory_space<hbm>> -> memref<1024xf32, #tpu.memory_space<hbm>>
      %dma_start3A_188 = tpu.memref_slice %arg4[%dma_start3A_185, %add3A_136, %mul3A_0] : memref<50x64x16384xf32, #tpu.memory_space<hbm>> -> memref<1x1x1024xf32, #tpu.memory_space<hbm>>
      %dma_start3A_189 = tpu.memref_squeeze %dma_start3A_188 : memref<1x1x1024xf32, #tpu.memory_space<hbm>> -> memref<1024xf32, #tpu.memory_space<hbm>>
      tpu.enqueue_dma source(%arg9 : memref<1024xf32, #tpu.memory_space<vmem>>) target(%dma_start3A_189 : memref<1024xf32, #tpu.memory_space<hbm>>) target_semaphore(%arg18 : memref<!tpu.dma_semaphore, #tpu.memory_space<semaphore_mem>>)
      %dma_wait3A_190 = arith.constant 0 : i32
      %dma_wait3A_191 = tpu.memref_slice %arg3[%scan3A_5, %dma_wait3A_190] : memref<50x16384xi32, #tpu.memory_space<hbm>> -> memref<1x1024xi32, #tpu.memory_space<hbm>>
      %dma_wait3A_192 = tpu.memref_squeeze %dma_wait3A_191 : memref<1x1024xi32, #tpu.memory_space<hbm>> -> memref<1024xi32, #tpu.memory_space<hbm>>
      %dma_wait3A_193 = arith.constant 0 : i32
      %dma_wait3A_194 = tpu.memref_slice %arg3[%scan3A_5, %dma_wait3A_193] : memref<50x16384xi32, #tpu.memory_space<hbm>> -> memref<1x1024xi32, #tpu.memory_space<hbm>>
      %dma_wait3A_195 = tpu.memref_squeeze %dma_wait3A_194 : memref<1x1024xi32, #tpu.memory_space<hbm>> -> memref<1024xi32, #tpu.memory_space<hbm>>
      tpu.wait_dma2 semaphore(%arg13 : memref<!tpu.dma_semaphore, #tpu.memory_space<semaphore_mem>>) src(%dma_wait3A_195 : memref<1024xi32, #tpu.memory_space<hbm>>) dst(%arg6 : memref<1024xi32, #tpu.memory_space<vmem>>)
      %dma_wait3A_196 = arith.constant 0 : i32
      %dma_wait3A_197 = arith.constant 0 : i32
      %dma_wait3A_198 = arith.constant 0 : i32
      %dma_wait3A_199 = tpu.memref_slice %arg4[%dma_wait3A_196, %dma_wait3A_197, %dma_wait3A_198] : memref<50x64x16384xf32, #tpu.memory_space<hbm>> -> memref<1x1x1024xf32, #tpu.memory_space<hbm>>
      %dma_wait3A_200 = tpu.memref_squeeze %dma_wait3A_199 : memref<1x1x1024xf32, #tpu.memory_space<hbm>> -> memref<1024xf32, #tpu.memory_space<hbm>>
      %dma_wait3A_201 = arith.constant 0 : i32
      %dma_wait3A_202 = tpu.memref_slice %arg4[%dma_wait3A_196, %dma_wait3A_197, %dma_wait3A_201] : memref<50x64x16384xf32, #tpu.memory_space<hbm>> -> memref<1x1x1024xf32, #tpu.memory_space<hbm>>
      %dma_wait3A_203 = tpu.memref_squeeze %dma_wait3A_202 : memref<1x1x1024xf32, #tpu.memory_space<hbm>> -> memref<1024xf32, #tpu.memory_space<hbm>>
      tpu.wait_dma2 semaphore(%arg18 : memref<!tpu.dma_semaphore, #tpu.memory_space<semaphore_mem>>) src(%arg9 : memref<1024xf32, #tpu.memory_space<vmem>>) dst(%dma_wait3A_203 : memref<1024xf32, #tpu.memory_space<hbm>>)
      %dma_start3A_204 = arith.constant 0 : i32
      %dma_start3A_205 = tpu.memref_slice %arg11[%dma_start3A_204] : memref<1000000xf32, #tpu.memory_space<vmem_shared>> -> memref<1000000xf32, #tpu.memory_space<vmem_shared>>
      tpu.enqueue_indirect_dma source(%dma_start3A_205 : memref<1000000xf32, #tpu.memory_space<vmem_shared>>) target(%arg9 : memref<1024xf32, #tpu.memory_space<vmem>>) offsets(%arg6 : memref<1024xi32, #tpu.memory_space<vmem>>) semaphore(%arg16 : memref<!tpu.dma_semaphore, #tpu.memory_space<semaphore_mem>>)
      %dma_wait3A_206 = arith.constant 0 : i32
      %dma_wait3A_207 = tpu.memref_slice %arg2[%scan3A_6, %dma_wait3A_206] : memref<64x1000000xf32, #tpu.memory_space<hbm>> -> memref<1x1024xf32, #tpu.memory_space<hbm>>
      %dma_wait3A_208 = tpu.memref_squeeze %dma_wait3A_207 : memref<1x1024xf32, #tpu.memory_space<hbm>> -> memref<1024xf32, #tpu.memory_space<hbm>>
      %dma_wait3A_209 = arith.constant 0 : i32
      %dma_wait3A_210 = tpu.memref_slice %arg2[%scan3A_6, %dma_wait3A_209] : memref<64x1000000xf32, #tpu.memory_space<hbm>> -> memref<1x1024xf32, #tpu.memory_space<hbm>>
      %dma_wait3A_211 = tpu.memref_squeeze %dma_wait3A_210 : memref<1x1024xf32, #tpu.memory_space<hbm>> -> memref<1024xf32, #tpu.memory_space<hbm>>
      tpu.wait_dma2 semaphore(%arg15 : memref<!tpu.dma_semaphore, #tpu.memory_space<semaphore_mem>>) src(%dma_wait3A_211 : memref<1024xf32, #tpu.memory_space<hbm>>) dst(%arg8 : memref<1024xf32, #tpu.memory_space<vmem>>)
      %dma_start3A_212 = arith.constant 48 : i32
      %dma_start3A_213 = tpu.memref_slice %arg4[%dma_start3A_212, %add3A_136, %mul3A_0] : memref<50x64x16384xf32, #tpu.memory_space<hbm>> -> memref<1x1x1024xf32, #tpu.memory_space<hbm>>
      %dma_start3A_214 = tpu.memref_squeeze %dma_start3A_213 : memref<1x1x1024xf32, #tpu.memory_space<hbm>> -> memref<1024xf32, #tpu.memory_space<hbm>>
      %dma_start3A_215 = tpu.memref_slice %arg4[%dma_start3A_212, %add3A_136, %mul3A_0] : memref<50x64x16384xf32, #tpu.memory_space<hbm>> -> memref<1x1x1024xf32, #tpu.memory_space<hbm>>
      %dma_start3A_216 = tpu.memref_squeeze %dma_start3A_215 : memref<1x1x1024xf32, #tpu.memory_space<hbm>> -> memref<1024xf32, #tpu.memory_space<hbm>>
      tpu.enqueue_dma source(%arg8 : memref<1024xf32, #tpu.memory_space<vmem>>) target(%dma_start3A_216 : memref<1024xf32, #tpu.memory_space<hbm>>) target_semaphore(%arg17 : memref<!tpu.dma_semaphore, #tpu.memory_space<semaphore_mem>>)
      %dma_wait3A_217 = arith.constant 0 : i32
      %dma_wait3A_218 = tpu.memref_slice %arg2[%scan3A_6, %dma_wait3A_217] : memref<64x1000000xf32, #tpu.memory_space<hbm>> -> memref<1x1024xf32, #tpu.memory_space<hbm>>
      %dma_wait3A_219 = tpu.memref_squeeze %dma_wait3A_218 : memref<1x1024xf32, #tpu.memory_space<hbm>> -> memref<1024xf32, #tpu.memory_space<hbm>>
      %dma_wait3A_220 = arith.constant 0 : i32
      %dma_wait3A_221 = tpu.memref_slice %arg2[%scan3A_6, %dma_wait3A_220] : memref<64x1000000xf32, #tpu.memory_space<hbm>> -> memref<1x1024xf32, #tpu.memory_space<hbm>>
      %dma_wait3A_222 = tpu.memref_squeeze %dma_wait3A_221 : memref<1x1024xf32, #tpu.memory_space<hbm>> -> memref<1024xf32, #tpu.memory_space<hbm>>
      tpu.wait_dma2 semaphore(%arg16 : memref<!tpu.dma_semaphore, #tpu.memory_space<semaphore_mem>>) src(%dma_wait3A_222 : memref<1024xf32, #tpu.memory_space<hbm>>) dst(%arg9 : memref<1024xf32, #tpu.memory_space<vmem>>)
      %dma_start3A_223 = arith.constant 49 : i32
      %dma_start3A_224 = tpu.memref_slice %arg4[%dma_start3A_223, %add3A_136, %mul3A_0] : memref<50x64x16384xf32, #tpu.memory_space<hbm>> -> memref<1x1x1024xf32, #tpu.memory_space<hbm>>
      %dma_start3A_225 = tpu.memref_squeeze %dma_start3A_224 : memref<1x1x1024xf32, #tpu.memory_space<hbm>> -> memref<1024xf32, #tpu.memory_space<hbm>>
      %dma_start3A_226 = tpu.memref_slice %arg4[%dma_start3A_223, %add3A_136, %mul3A_0] : memref<50x64x16384xf32, #tpu.memory_space<hbm>> -> memref<1x1x1024xf32, #tpu.memory_space<hbm>>
      %dma_start3A_227 = tpu.memref_squeeze %dma_start3A_226 : memref<1x1x1024xf32, #tpu.memory_space<hbm>> -> memref<1024xf32, #tpu.memory_space<hbm>>
      tpu.enqueue_dma source(%arg9 : memref<1024xf32, #tpu.memory_space<vmem>>) target(%dma_start3A_227 : memref<1024xf32, #tpu.memory_space<hbm>>) target_semaphore(%arg18 : memref<!tpu.dma_semaphore, #tpu.memory_space<semaphore_mem>>)
      %eq3A_228 = arith.constant 0 : i32
      %eq3A_229 = arith.cmpi eq, %arg1, %eq3A_228 : i32
      %lt3A_230 = arith.constant 15 : i32
      %lt3A_231 = arith.cmpi slt, %scan3A_27, %lt3A_230 : i32
      %and3A_232 = arith.andi %eq3A_229, %lt3A_231 : i1
      %convert_element_type3A_233 = arith.extui %and3A_232 : i1 to i32
      %cond3A_234 = arith.constant 0 : i32
      %cond3A_235 = arith.cmpi ne, %convert_element_type3A_233, %cond3A_234 : i32
      scf.if %cond3A_235 {
        %add3A_236 = arith.constant 2 : i32
        %add3A_237 = arith.addi %add3A_136, %add3A_236 : i32
        %dma_start3A_238 = arith.constant 0 : i32
        %dma_start3A_239 = tpu.memref_slice %arg2[%add3A_237, %dma_start3A_238] : memref<64x1000000xf32, #tpu.memory_space<hbm>> -> memref<1x1000000xf32, #tpu.memory_space<hbm>>
        %dma_start3A_240 = tpu.memref_squeeze %dma_start3A_239 : memref<1x1000000xf32, #tpu.memory_space<hbm>> -> memref<1000000xf32, #tpu.memory_space<hbm>>
        tpu.enqueue_dma source(%dma_start3A_240 : memref<1000000xf32, #tpu.memory_space<hbm>>) target(%arg11 : memref<1000000xf32, #tpu.memory_space<vmem_shared>>) target_semaphore(%arg20 : memref<!tpu.dma_semaphore, #tpu.memory_space<semaphore_mem>>)
      } else {
      }
    }
    %scan3A_11 = arith.constant 16 : i32
    %dma_wait3A = arith.constant 0 : i32
    %dma_wait3A_12 = arith.constant 0 : i32
    %dma_wait3A_13 = arith.constant 0 : i32
    %dma_wait3A_14 = tpu.memref_slice %arg4[%dma_wait3A, %dma_wait3A_12, %dma_wait3A_13] : memref<50x64x16384xf32, #tpu.memory_space<hbm>> -> memref<1x1x1024xf32, #tpu.memory_space<hbm>>
    %dma_wait3A_15 = tpu.memref_squeeze %dma_wait3A_14 : memref<1x1x1024xf32, #tpu.memory_space<hbm>> -> memref<1024xf32, #tpu.memory_space<hbm>>
    %dma_wait3A_16 = arith.constant 0 : i32
    %dma_wait3A_17 = tpu.memref_slice %arg4[%dma_wait3A, %dma_wait3A_12, %dma_wait3A_16] : memref<50x64x16384xf32, #tpu.memory_space<hbm>> -> memref<1x1x1024xf32, #tpu.memory_space<hbm>>
    %dma_wait3A_18 = tpu.memref_squeeze %dma_wait3A_17 : memref<1x1x1024xf32, #tpu.memory_space<hbm>> -> memref<1024xf32, #tpu.memory_space<hbm>>
    tpu.wait_dma2 semaphore(%arg17 : memref<!tpu.dma_semaphore, #tpu.memory_space<semaphore_mem>>) src(%arg8 : memref<1024xf32, #tpu.memory_space<vmem>>) dst(%dma_wait3A_18 : memref<1024xf32, #tpu.memory_space<hbm>>)
    %dma_wait3A_19 = arith.constant 0 : i32
    %dma_wait3A_20 = arith.constant 0 : i32
    %dma_wait3A_21 = arith.constant 0 : i32
    %dma_wait3A_22 = tpu.memref_slice %arg4[%dma_wait3A_19, %dma_wait3A_20, %dma_wait3A_21] : memref<50x64x16384xf32, #tpu.memory_space<hbm>> -> memref<1x1x1024xf32, #tpu.memory_space<hbm>>
    %dma_wait3A_23 = tpu.memref_squeeze %dma_wait3A_22 : memref<1x1x1024xf32, #tpu.memory_space<hbm>> -> memref<1024xf32, #tpu.memory_space<hbm>>
    %dma_wait3A_24 = arith.constant 0 : i32
    %dma_wait3A_25 = tpu.memref_slice %arg4[%dma_wait3A_19, %dma_wait3A_20, %dma_wait3A_24] : memref<50x64x16384xf32, #tpu.memory_space<hbm>> -> memref<1x1x1024xf32, #tpu.memory_space<hbm>>
    %dma_wait3A_26 = tpu.memref_squeeze %dma_wait3A_25 : memref<1x1x1024xf32, #tpu.memory_space<hbm>> -> memref<1024xf32, #tpu.memory_space<hbm>>
    tpu.wait_dma2 semaphore(%arg18 : memref<!tpu.dma_semaphore, #tpu.memory_space<semaphore_mem>>) src(%arg9 : memref<1024xf32, #tpu.memory_space<vmem>>) dst(%dma_wait3A_26 : memref<1024xf32, #tpu.memory_space<hbm>>)
    return
  }
}

</mosaic_0001>

<sc_bundles>
// kernel: kernel.3.cloned.1.call-start
scs
__scs_entry_jumppad:
0x0: {  	(pc) =	sbr.rel $0x88, $3  }
0x1: {  	(tag) =	ssettag $0x0;
	lr =	simm.s32 $0x1  }
0x2: {  	[smem:$0x3F9F] =	sst lr;
	_ =	strace $0xD0000000  }
0x3: {  	_ = 	snop  }
0x4: {  	_ = 	snop  }
0x5: {  	_ = 	snop  }
0x6: {  	_ = 	snop  }
0x7: {  	_ = 	snop  }
__scs_overlays_trampoline_lowered:
0x8: {  	[smem:$0x3FAE] =	sst s0  }
0x9: {  	[smem:$0x3FAF] =	sst s1  }
0xa: {  	[smem:$0x3FB0] =	sst s2  }
0xb: {  	[smem:$0x3FB1] =	sst s3  }
0xc: {  	[smem:$0x3FB2] =	sst s4  }
0xd: {  	[smem:$0x3FB3] =	sst s5  }
0xe: {  	[smem:$0x3FB4] =	sst s6  }
0xf: {  	[smem:$0x3FB5] =	sst s7  }
0x10: {  	[smem:$0x3FB6] =	sst s8  }
0x11: {  	[smem:$0x3FB7] =	sst s9;
	s0 =	simm.s32 @!p0 $0x0  }
0x12: {  	s1 =	sld [smem:$0x3F9D];
	s0 =	simm.s32 @p0 $0x1  }
0x13: {  	[smem:$0x3FB8] =	sst s0;
	s0 =	simm.s32 @!p1 $0x0  }
0x14: {  	s2 =	sld [smem:$0x3F9C];
	s0 =	simm.s32 @p1 $0x1  }
0x15: {  	[smem:$0x3FB9] =	sst s0;
	s0 =	simm.s32 @!p2 $0x0  }
0x16: {  	s3 =	sld [smem:$0x3FDB];
	s0 =	simm.s32 @p2 $0x1  }
0x17: {  	s4 =	simm.s32 $0x1BF5;
	[smem:$0x3FBB] =	sst s0  }
0x18: {  	s0 =	sld [smem:$0x3F9E];
	_ =	swait.ge [sflag:s4], $0x0  }
0x19: {  	s7 =	sld [smem:$0x3F9F]  }
0x1a: {  	s8 =	sadd.s32 $0xFFFFE003, lr  }
0x1b: {  	s9 =	sadd.s32 $0xFFFFFEF7, lr;
	s5 =	simm.s32 $0xFFFFFFFF;
	p2 =	slt.u32 s8, $0xFFFFF086  }
0x1c: {  	p1 =	slt.u32 s9, $0xF7A;
	s5 =	simm.s32 @!p2 $0x0  }
0x1d: {  	s5 =	simm.s32 @p1 $0x1;
	p0 =	seq.s32 s7, s2  }
0x1e: {  	s7 =	smul.u32 @!p0 $0xF7A, s2;
	p2 =	seq.s32 @!p0 s5, $0x0  }
0x1f: {  	s9 =	smul.u32 $0xF7A, s1;
	s8 =	simm.s32 @!p0 $0x1BF5;
	p2 =	por !p2, p0  }
0x20: {  	[sflag:s8] =	ssyncset.s32 @!p0 $0xFFFFF086;
	s6 =	sadd.s32 @!p0 s3, s7;
	s7 =	simm.s32 @!p0 $0x108  }
0x21: {  	s3 =	sadd.s32 s3, s9;
	s6 =	sadd.s32 @!p0 $0x88, s6;
	s7 =	simm.s32 @p2 $0x1082  }
0x22: {  	[simem:s7], [sflag:s8] =	dma.local @!p0 [hbm:s6], $0xF7A  }
0x23: {  	s9 =	sor.u32 $0xD0000000, s2;
	s6 =	simm.s32 $0x108;
	_ =	swait.ge @!p0 [sflag:s8], $0x0  }
0x24: {  	s3 =	sadd.s32 $0x88, s3;
	s6 =	simm.s32 @!p1 $0x1082;
	[sflag:s4] =	ssyncset.s32 $0xFFFFF086  }
0x25: {  	[simem:s6], [sflag:s4] =	dma.local [hbm:s3], $0xF7A  }
0x26: {  	[smem:$0x3F9F] =	sst s1;
	(tag) =	ssettag s2;
	_ =	strace s9  }
0x27: {  	s1 =	sld [smem:$0x3FAF]  }
0x28: {  	s2 =	sld [smem:$0x3FB0]  }
0x29: {  	s4 =	sld [smem:$0x3FB2]  }
0x2a: {  	p0 =	seq.s32 s5, $0x0;
	s5 =	sld [smem:$0x3FB3]  }
0x2b: {  	s6 =	sld [smem:$0x3FB4]  }
0x2c: {  	s7 =	sld [smem:$0x3FB5]  }
0x2d: {  	s3 =	simm.s32 $0x108;
	s8 =	sld [smem:$0x3FB6]  }
0x2e: {  	s3 =	simm.s32 @!p0 $0x1082;
	s9 =	sld [smem:$0x3FB7]  }
0x2f: {  	lr =	sadd.s32 s0, s3;
	s0 =	sld [smem:$0x3FAE]  }
0x30: {  	s3 =	sld [smem:$0x3FB1]  }
0x31: {  	[smem:$0x3FBA] =	sst s10  }
0x32: {  	s10 =	sld [smem:$0x3FB8];
	_ =	sdelay $0x3  }
0x33: {  	p0 =	seq.s32 s10, $0x1;
	s10 =	sld [smem:$0x3FBA];
	_ =	sdelay $0x3  }
0x34: {  	[smem:$0x3FBA] =	sst s10  }
0x35: {  	s10 =	sld [smem:$0x3FB9];
	_ =	sdelay $0x3  }
0x36: {  	p1 =	seq.s32 s10, $0x1;
	s10 =	sld [smem:$0x3FBA];
	_ =	sdelay $0x3  }
0x37: {  	[smem:$0x3FBA] =	sst s10  }
0x38: {  	s10 =	sld [smem:$0x3FBB]  }
0x39: {  	_ = 	snop;
	(pc) =	sbr.ind lr, $3  }
0x3a: {  	_ = 	snop  }
0x3b: {  	_ = 	snop  }
0x3c: {  	p2 =	seq.s32 s10, $0x1;
	s10 =	sld [smem:$0x3FBA]  }
0x3d: {  	_ =	shalt  }
0x3e: {  	_ =	shalt  }
0x3f: {  	_ =	shalt  }
0x40: {  	_ =	shalt  }
0x41: {  	_ =	shalt  }
0x42: {  	_ =	shalt  }
0x43: {  	_ =	shalt  }
0x44: {  	_ =	shalt  }
0x45: {  	_ =	shalt  }
0x46: {  	_ =	shalt  }
0x47: {  	_ =	shalt  }
0x48: {  	_ =	shalt  }
0x49: {  	_ =	shalt  }
0x4a: {  	_ =	shalt  }
0x4b: {  	_ =	shalt  }
0x4c: {  	_ =	shalt  }
0x4d: {  	_ =	shalt  }
0x4e: {  	_ =	shalt  }
0x4f: {  	_ =	shalt  }
0x50: {  	_ =	shalt  }
0x51: {  	_ =	shalt  }
0x52: {  	_ =	shalt  }
0x53: {  	_ =	shalt  }
0x54: {  	_ =	shalt  }
0x55: {  	_ =	shalt  }
0x56: {  	_ =	shalt  }
0x57: {  	_ =	shalt  }
0x58: {  	_ =	shalt  }
0x59: {  	_ =	shalt  }
0x5a: {  	_ =	shalt  }
0x5b: {  	_ =	shalt  }
0x5c: {  	_ =	shalt  }
0x5d: {  	_ =	shalt  }
0x5e: {  	_ =	shalt  }
0x5f: {  	_ =	shalt  }
0x60: {  	_ =	shalt  }
0x61: {  	_ =	shalt  }
0x62: {  	_ =	shalt  }
0x63: {  	_ =	shalt  }
0x64: {  	_ =	shalt  }
0x65: {  	_ =	shalt  }
0x66: {  	_ =	shalt  }
0x67: {  	_ =	shalt  }
0x68: {  	_ =	shalt  }
0x69: {  	_ =	shalt  }
0x6a: {  	_ =	shalt  }
0x6b: {  	_ =	shalt  }
0x6c: {  	_ =	shalt  }
0x6d: {  	_ =	shalt  }
0x6e: {  	_ =	shalt  }
0x6f: {  	_ =	shalt  }
0x70: {  	_ =	shalt  }
0x71: {  	_ =	shalt  }
0x72: {  	_ =	shalt  }
0x73: {  	_ =	shalt  }
0x74: {  	_ =	shalt  }
0x75: {  	_ =	shalt  }
0x76: {  	_ =	shalt  }
0x77: {  	_ =	shalt  }
0x78: {  	_ =	shalt  }
0x79: {  	_ =	shalt  }
0x7a: {  	_ =	shalt  }
0x7b: {  	_ =	shalt  }
0x7c: {  	_ =	shalt  }
0x7d: {  	_ =	shalt  }
0x7e: {  	_ =	shalt  }
0x7f: {  	_ =	shalt  }
0x80: {  	_ =	shalt  }
0x81: {  	_ =	shalt  }
0x82: {  	_ =	shalt  }
0x83: {  	_ =	shalt  }
0x84: {  	_ =	shalt  }
0x85: {  	_ =	shalt  }
0x86: {  	_ =	shalt  }
0x87: {  	_ =	shalt  }
.Lfunc_end0:
.L_simem_size_0:
called_computation_lowered:
.L_overlay_start_0:
0x88: {  	s2 =	sld [smem:$0x3FD9]  }
0x89: {  	s3 =	sld [smem:$0x3FFE];
	_ =	sdelay $0x1  }
0x8a: {  	s1 =	srdreg.scid  }
0x8b: {  	s0 =	sand.u32 $0x1, s1  }
0x8c: {  	s18 =	sshll.u32 s0, $0xA;
	s2 =	sadd.s32 s3, s2  }
0x8d: {  	s2 =	sadd.s32 s2, s18  }
0x8e: {  	[smem:$0x3FC6] =	sst s2  }
0x8f: {  	_ = 	snop  }
0x90: {  	s2 =	sld [smem:$0x3FC9]  }
0x91: {  	s19 =	sld [smem:$0x3FC8]  }
0x92: {  	s4 =	sld [smem:$0x3FD0];
	(tm) =	ssettm $0x1  }
0x93: {  	s5 =	sld [smem:$0x3FFB];
	_ =	sdelay $0x3  }
0x94: {  	_ =	strace s5  }
0x95: {  	s5 =	sld [smem:$0x3FFC];
	_ =	sdelay $0x3  }
0x96: {  	_ =	strace s5  }
0x97: {  	s5 =	sld [smem:$0x3FFD];
	_ =	sdelay $0x3  }
0x98: {  	_ =	strace s5  }
0x99: {  	_ =	strace $0x8FFFFFFF  }
0x9a: {  	s20 =	sld [smem:$0x3FDB];
	_ =	sdelay $0x1  }
0x9b: {  	s6 =	simm.s32 $_scs_section_size  }
0x9c: {  	s7 =	simm.s32 $_size__tile_overlayer_lowered;
	s8 =	simm.s32 $_tile_overlayer_lowered  }
0x9d: {  	s23 =	simm.s32 $0x1BFF;
	s22 =	sshll.u32 s8, $0x1;
	s5 =	sadd.s32 s6, s20  }
0x9e: {  	s9 =	simm.s32 $0x0;
	s21 =	sshll.u32 s7, $0x1;
	s7 =	sadd.s32 s22, s5  }
0x9f: {  	[timem:s9], [sflag:s23] =	dma.local [hbm:s7], s21  }
0xa0: {  	_ =	swait.ge [sflag:s23], s21  }
0xa1: {  	s6 =	ssub.s32 $0x0, s21;
	[sflag:s23] =	ssyncset.done $0x0  }
0xa2: {  	[sflag:s23] =	ssyncadd.s32 s6;
	_ =	sdelay $0x1  }
0xa3: {  	s24 =	simm.s32 $0x1B8B  }
0xa4: {  	_ =	swait.ge [sflag:s24], $0x1  }
0xa5: {  	[sflag:s24] =	ssyncset.done $0x0  }
0xa6: {  	s25 =	simm.s32 $0x1B8E;
	[sflag:s24] =	ssyncadd.s32 $0xFFFFFFFF  }
0xa7: {  	s26 =	simm.s32 $execute0_lowered;
	[smem:$0x3FD2] =	sst s25  }
0xa8: {  	s6 =	sshll.u32 s26, $0x1;
	_ =	strace $0x80000046;
	[dreg:$0x1] =	wrdreg $0xFFFFFFFF  }
0xa9: {  	s28 =	simm.s32 $_size_execute0_lowered;
	s5 =	sadd.s32 s5, s6;
	[dreg:$0x0] =	wrdreg $0x0  }
0xaa: {  	s6 =	sshll.u32 s28, $0x1;
	[dreg:$0x2] =	wrdreg s5  }
0xab: {  	[dreg:$0x3] =	wrdreg s6  }
0xac: {  	[dreg:$0x4] =	wrdreg $0xC0  }
0xad: {  	_ =	task [dreg:s9], $0x5FFFF  }
0xae: {  	[dreg:$0x1] =	wrdreg $0xFFFFFFFF  }
0xaf: {  	[dreg:$0x0] =	wrdreg $0x60  }
0xb0: {  	[dreg:$0x2] =	wrdreg s19  }
0xb1: {  	[dreg:$0x3] =	wrdreg s2  }
0xb2: {  	[dreg:$0x4] =	wrdreg s4  }
0xb3: {  	[dreg:$0x5] =	wrdreg $0x14000  }
0xb4: {  	[dreg:$0x6] =	wrdreg $0x108280  }
0xb5: {  	[dreg:$0x7] =	wrdreg $0x9  }
0xb6: {  	_ =	task.clear_ibuf [dreg:s9], $0x8FFFF;
	_ =	strace $0x90000046  }
0xb7: {  	s29 =	simm.s32 $0x9;
	_ =	strace $0x80000048  }
0xb8: {  	_ =	swait.ge [sflag:s29], $0x1  }
0xb9: {  	[sflag:s29] =	ssyncadd.s32 $0xFFFFFFFF  }
0xba: {  	_ =	strace $0x90000048  }
0xbb: {  	_ =	sfence  }
0xbc: {  	s30 =	sld [smem:$0x0];
	_ =	sdelay $0x2  }
0xbd: {  	s31 =	sshll.u32 s1, $0xD;
	s1 =	sshrl.u32 s1, $0x2  }
0xbe: {  	s3 =	sand.u32 $0x4000, s31;
	s1 =	sadd.s32 s1, s30  }
0xbf: {  	s0 =	sor.u32 s3, s0;
	s1 =	sshll.u32 s1, $0x11  }
0xc0: {  	s0 =	sor.u32 s1, s0  }
0xc1: {  	s0 =	sadd.s32 $0x8F2B, s0  }
0xc2: {  	[sflag:s0] =	ssyncadd.remote.s32 $0x1  }
0xc3: {  	_ =	sfence.sel $0xFFFF  }
0xc4: {  	[dreg:$0x0] =	wrdreg $0xFFFFFFFF;
	(pc) =	sbr.abs _section_cstart, $3  }
0xc5: {  	[dreg:$0x1] =	wrdreg $0xFFFFFFFF  }
0xc6: {  	_ =	task.clear_ibuf [dreg:s9], $0x2FFFF;
	_ =	strace $0x9FFFFFFF  }
0xc7: {  	(tm) =	ssettm $0x7FFFFFFF  }
tec
execute0_lowered:
.L_overlay_start_1:
0x0: {  	(tag) =	ssettag $0x1  }
0x1: {  	s4 =	rddreg [dreg:$0x0]  }
0x2: {  	s2 =	rddreg [dreg:$0x1]  }
0x3: {  	s18 =	rddreg [dreg:$0x2]  }
0x4: {  	s24 =	rddreg [dreg:$0x3]  }
0x5: {  	s6 =	rddreg [dreg:$0x4]  }
0x6: {  	s0 =	srdreg.scid;
	s22 =	simm.s32 $0x0;
	s7 =	stileid.u32  }
0x7: {  	s28 =	simm.s32 $0x80;
	[smem:$0x7FF] =	sst s22;
	s14 =	sadd.s32 $0x20000, s18  }
0x8: {  	s16 =	sadd.s32 $0x5E0000, s18;
	_ =	strace $0x80000047;
	[dreg:$0xa] =	wrdreg s14  }
0x9: {  	s29 =	simm.s32 $0x400;
	s17 =	sadd.s32 $0x600000, s18;
	[dreg:$0x14] =	wrdreg s16  }
0xa: {  	s0 =	sand.u32 $0x1, s0;
	s19 =	sadd.s32 $0x620000, s18;
	[dreg:$0x15] =	wrdreg s17  }
0xb: {  	s12 =	sshll.u32 s7, $0xA;
	s5 =	sshll.u32 s0, $0x5;
	[dreg:$0x16] =	wrdreg s19  }
0xc: {  	s11 =	sshll.u32 s7, $0xD;
	s13 =	sadd.s32 s2, s12;
	[dreg:$0xe] =	wrdreg s5  }
0xd: {  	s31 =	simm.s32 $0x1;
	s15 =	sor.u32 $0x200000, s11;
	[dreg:$0x10] =	wrdreg s13  }
0xe: {  	s1 =	ssub.s32 $0x2, s0;
	s20 =	sor.u32 $0xFFF00000, s11;
	[dreg:$0x13] =	wrdreg s15  }
0xf: {  	s3 =	smul.u32 $0x3D0A00, s0;
	s0 =	sshll.u32 s0, $0x13;
	[dreg:$0x18] =	wrdreg s20  }
0x10: {  	s9 =	simm.s32 $0x2;
	s21 =	sor.u32 $0x400000, s11;
	[dreg:$0x19] =	wrdreg s0  }
0x11: {  	p0 =	sne.s32 s7, $0x0;
	s23 =	sor.u32 $0x300000, s11;
	[dreg:$0x1a] =	wrdreg s21  }
0x12: {  	p1 =	seq.s32 s7, $0x0;
	s25 =	sor.u32 $0xFFF00080, s11;
	[dreg:$0x1b] =	wrdreg s23  }
0x13: {  	s7 =	simm.s32 $0x6;
	s26 =	sor.u32 $0x400080, s11;
	[dreg:$0x1c] =	wrdreg s25  }
0x14: {  	s30 =	sor.u32 $0x300080, s11;
	s8 =	sshrl.u32 s1, $0x1;
	[dreg:$0x1d] =	wrdreg s26  }
0x15: {  	[dreg:$0x1e] =	wrdreg s30;
	s0 =	sshrl.u32 @!p0 s24, $0x3;
	s21 =	simm.s32 $0x800  }
0x16: {  	s26 =	simm.s32 $0x4;
	s4 =	sadd.s32 s4, s3;
	[dreg:$0x1f] =	wrdreg s0  }
0x17: {  	s20 =	simm.s32 $0x3;
	s3 =	sadd.s32 $0x10, s13;
	[dreg:$0xd] =	wrdreg s4  }
0x18: {  	s1 =	ssub.s32 s1, s8;
	s4 =	sadd.s32 $0x10, s4;
	[dreg:$0x11] =	wrdreg s3  }
0x19: {  	s0 =	simm.s32 $0x5;
	s1 =	smax.u32 s1, $0x1;
	[dreg:$0xf] =	wrdreg s4  }
0x1a: {  	s8 =	simm.s32 $0x7;
	s4 =	sadd.s32 $0x20, s13;
	[dreg:$0x17] =	wrdreg s1  }
0x1b: {  	s1 =	simm.s32 $0xC00;
	[dreg:$0x12] =	wrdreg s4;
	s4 =	simm.s32 $0x0  }
.LBB2_1:
0x1c: {  	[smem:$0x7FD] =	sst s4  }
0x1d: {  	s3 =	simm.s32 @!p0 $0x1;
	s10 =	simm.s32 @!p0 $0x10;
	s4 =	rddreg [dreg:$0xd]  }
0x1e: {  	s12 =	simm.s32 @!p0 $0x80;
	s13 =	simm.s32 @!p0 $0x1C08;
	s5 =	rddreg [dreg:$0x1f]  }
0x1f: {  	[spmem:s5@s10], [sflag:s13] =	dma.strided @!p0 [hbm:s4@s12], $0x1E850, s3, $0x10   }
0x20: {  	s14 =	simm.s32 @!p0 $0x1C09;
	s13 =	sshrl.u32 @!p0 s6, $0x3;
	s4 =	rddreg [dreg:$0xf]  }
0x21: {  	[spmem:s13@s10], [sflag:s14] =	dma.strided @!p0 [hbm:s4@s12], $0x1E850, s3, $0x10   }
0x22: {  	s23 =	simm.s32 $0x0;
	s3 =	simm.s32 $0x0;
	s4 =	rddreg [dreg:$0x19]  }
.LBB2_2:
0x23: {  	[smem:$0x7F6] =	sst s4  }
0x24: {  	[smem:$0x7F7] =	sst s3  }
0x25: {  	s14 =	rddreg [dreg:$0x1c]  }
0x26: {  	s5 =	rddreg [dreg:$0x13]  }
0x27: {  	s19 =	rddreg [dreg:$0x1a]  }
0x28: {  	s30 =	rddreg [dreg:$0x1b]  }
0x29: {  	s12 =	sand.u32 $0xFFFE0000, s4;
	s10 =	sshll.u32 s3, $0x8;
	s6 =	rddreg [dreg:$0x10]  }
0x2a: {  	s13 =	sadd.s32 s12, s14;
	s10 =	sand.u32 $0x300, s10;
	s15 =	sadd.s32 s12, s5  }
0x2b: {  	[tilespmem:s22], [sflag:$0x1] =	stream.strided.gather [hbm4b:s6+s28], $0x400, s29, s28, $0x38;
	[tilespmem:$0x1FC50] =	vst v63  }
0x2c: {  	s16 =	sor.u32 s12, s11;
	s25 =	sadd.s32 s12, s19;
	s13 =	sadd.s32 s10, s13  }
0x2d: {  	s14 =	sadd.s32 s12, s30;
	s3 =	sadd.s32 s10, s15;
	[dreg:$0xb] =	wrdreg s13  }
0x2e: {  	s3 =	sshrl.u32 s3, $0x3;
	s13 =	sadd.s32 s10, s25;
	s25 =	rddreg [dreg:$0x12]  }
0x2f: {  	s17 =	sadd.s32 s10, s16;
	s16 =	sadd.s32 s10, s14;
	[dreg:$0x6] =	wrdreg s3  }
0x30: {  	s19 =	sshrl.u32 s16, $0x3;
	s3 =	sshrl.u32 s17, $0x3;
	s17 =	rddreg [dreg:$0x11]  }
0x31: {  	[dreg:$0x9] =	wrdreg s19  }
0x32: {  	s15 =	sshrl.u32 s13, $0x3;
	[dreg:$0x7] =	wrdreg s3  }
0x33: {  	[tilespmem:s29], [sflag:$0x2] =	stream.strided.gather [hbm4b:s17+s28], $0x400, s29, s28, $0x38;
	[tilespmem:$0x1FC50] =	vst v63  }
0x34: {  	[dreg:$0x8] =	wrdreg s15;
	s3 =	simm.s32 @!p0 $0x8  }
0x35: {  	[tilespmem:s21], [sflag:$0x3] =	stream.strided.gather [hbm4b:s25+s28], $0x400, s29, s28, $0x38;
	[tilespmem:$0x1FC50] =	vst v63  }
0x36: {  	_ =	swait.ge @!p0 [sflag:s3], $0x1E850  }
0x37: {  	p3 =	por $0x1, $0x1;
	[sflag:s3] =	ssyncset.done @!p0 $0x0  }
0x38: {  	s6 =	simm.s32 $0x0;
	s14 =	simm.s32 @!p3 $0x100;
	[sflag:s3] =	ssyncadd.s32 @!p0 $0xFFFE17B0  }
0x39: {  	s15 =	sor.u32 s23, s6;
	s30 =	rddreg [dreg:$0x18];
	_ =	swait.ge [sflag:s31], $0x400  }
0x3a: {  	s14 =	sand.u32 @!p3 $0x300, s14;
	p2 =	seq.s32 s15, $0x0;
	[sflag:s31] =	ssyncset.done $0x0  }
0x3b: {  	s15 =	simm.s32 @!p3 $0x8000;
	s13 =	simm.s32 @!p2 $0x6;
	[sflag:s31] =	ssyncadd.s32 $0xFFFFFC00  }
0x3c: {  	s17 =	simm.s32 @!p3 $0x1000;
	s15 =	sand.u32 @!p3 $0x1E0000, s15;
	_ =	swait.ge @!p2 [sflag:s13], $0x400  }
0x3d: {  	s14 =	sor.u32 @!p3 s15, s14;
	s4 =	sadd.s32 s12, s30;
	[sflag:s13] =	ssyncset.done @!p2 $0x0  }
0x3e: {  	s15 =	simm.s32 @!p3 $0x5;
	s3 =	sadd.s32 s10, s4;
	[sflag:s13] =	ssyncadd.s32 @!p2 $0xFFFFFC00  }
0x3f: {  	[tilespmem:s1], [sflag:$0x4] =	stream.indirect.gather [spmem:s24], $0x1, s22, s29, $0xb8;
	[tilespmem:$0x1FC50] =	vst v63  }
0x40: {  	s16 =	sshrl.u32 @!p3 s3, $0x3;
	s13 =	sor.u32 @!p3 s11, s14;
	_ =	swait.ge @!p3 [sflag:s15], $0x400  }
0x41: {  	s14 =	sadd.s32 @!p3 s18, s16;
	s16 =	simm.s32 @!p3 $0x80;
	[sflag:s15] =	ssyncset.done @!p3 $0x0  }
0x42: {  	s13 =	sshrl.u32 @!p3 s13, $0x3;
	[sflag:s15] =	ssyncadd.s32 @!p3 $0xFFFFFC00;
	s15 =	simm.s32 @!p3 $0x400  }
0x43: {  	[hbm4b:s14+s16] =	stream.strided.scatter @!p3 [tilespmem:s17], [sflag:$0x7], $0x400, s15, s16, $0x38;
	[tilespmem:$0x1FC50] =	vst v63  }
0x44: {  	s13 =	sadd.s32 @!p3 s2, s13;
	s14 =	simm.s32 @!p3 $0x800  }
0x45: {  	[tilespmem:s14], [sflag:$0x3] =	stream.strided.gather @!p3 [hbm4b:s13+s16], $0x400, s15, s16, $0x38;
	[tilespmem:$0x1FC50] =	vst v63  }
0x46: {  	_ =	swait.ge [sflag:s9], $0x400  }
0x47: {  	[sflag:s9] =	ssyncset.done $0x0  }
0x48: {  	s13 =	simm.s32 @!p2 $0x7;
	[sflag:s9] =	ssyncadd.s32 $0xFFFFFC00  }
0x49: {  	s6 =	simm.s32 $0x1000;
	_ =	swait.ge @!p2 [sflag:s13], $0x400  }
0x4a: {  	s17 =	simm.s32 $0xC000;
	s16 =	simm.s32 $0x180;
	[sflag:s13] =	ssyncset.done @!p2 $0x0  }
0x4b: {  	s14 =	sand.u32 $0x1E0000, s17;
	[sflag:s13] =	ssyncadd.s32 @!p2 $0xFFFFFC00;
	s13 =	sand.u32 $0x380, s16  }
0x4c: {  	[tilespmem:s6], [sflag:$0x5] =	stream.indirect.gather [spmem:s24], $0x1, s29, s29, $0xb8;
	[tilespmem:$0x1FC50] =	vst v63  }
0x4d: {  	s13 =	sor.u32 s14, s13;
	_ =	swait.ge [sflag:s26], $0x400  }
0x4e: {  	s13 =	sor.u32 s11, s13;
	s19 =	rddreg [dreg:$0x7];
	[sflag:s26] =	ssyncset.done $0x0  }
0x4f: {  	s13 =	sshrl.u32 s13, $0x3;
	[sflag:s26] =	ssyncadd.s32 $0xFFFFFC00;
	s25 =	sadd.s32 s18, s19  }
0x50: {  	[hbm4b:s25+s28] =	stream.strided.scatter [tilespmem:s1], [sflag:$0x6], $0x400, s29, s28, $0x38;
	[tilespmem:$0x1FC50] =	vst v63  }
0x51: {  	s13 =	sadd.s32 s2, s13  }
0x52: {  	[tilespmem:s22], [sflag:$0x1] =	stream.strided.gather [hbm4b:s13+s28], $0x400, s29, s28, $0x38;
	[tilespmem:$0x1FC50] =	vst v63  }
0x53: {  	_ =	swait.ge [sflag:s20], $0x400  }
0x54: {  	[sflag:s20] =	ssyncset.done $0x0  }
0x55: {  	[sflag:s20] =	ssyncadd.s32 $0xFFFFFC00  }
0x56: {  	_ =	swait.ge [sflag:s7], $0x400  }
0x57: {  	s30 =	simm.s32 $0x200;
	s4 =	simm.s32 $0x10000;
	[sflag:s7] =	ssyncset.done $0x0  }
0x58: {  	s15 =	sand.u32 $0x1E0000, s4;
	s13 =	sand.u32 $0x300, s30;
	[sflag:s7] =	ssyncadd.s32 $0xFFFFFC00  }
0x59: {  	[tilespmem:s1], [sflag:$0x4] =	stream.indirect.gather [spmem:s24], $0x1, s21, s29, $0xb8;
	[tilespmem:$0x1FC50] =	vst v63  }
0x5a: {  	s13 =	sor.u32 s15, s13;
	_ =	swait.ge [sflag:s0], $0x400  }
0x5b: {  	s13 =	sor.u32 s11, s13;
	[sflag:s0] =	ssyncset.done $0x0  }
0x5c: {  	s14 =	sadd.s32 $0x20000, s25;
	s13 =	sshrl.u32 s13, $0x3;
	[sflag:s0] =	ssyncadd.s32 $0xFFFFFC00  }
0x5d: {  	[hbm4b:s14+s28] =	stream.strided.scatter [tilespmem:s6], [sflag:$0x7], $0x400, s29, s28, $0x38;
	[tilespmem:$0x1FC50] =	vst v63  }
0x5e: {  	s13 =	sadd.s32 s2, s13  }
0x5f: {  	[tilespmem:s29], [sflag:$0x2] =	stream.strided.gather [hbm4b:s13+s28], $0x400, s29, s28, $0x38;
	[tilespmem:$0x1FC50] =	vst v63  }
0x60: {  	_ =	swait.ge [sflag:s31], $0x400  }
0x61: {  	[sflag:s31] =	ssyncset.done $0x0  }
0x62: {  	[sflag:s31] =	ssyncadd.s32 $0xFFFFFC00  }
0x63: {  	_ =	swait.ge [sflag:s8], $0x400  }
0x64: {  	s17 =	simm.s32 $0x280;
	s19 =	simm.s32 $0x14000;
	[sflag:s8] =	ssyncset.done $0x0  }
0x65: {  	s15 =	sand.u32 $0x1E0000, s19;
	s14 =	sand.u32 $0x380, s17;
	[sflag:s8] =	ssyncadd.s32 $0xFFFFFC00  }
0x66: {  	[tilespmem:s6], [sflag:$0x5] =	stream.indirect.gather [spmem:s24], $0x1, s22, s29, $0xb8;
	[tilespmem:$0x1FC50] =	vst v63  }
0x67: {  	s14 =	sor.u32 s15, s14;
	_ =	swait.ge [sflag:s26], $0x400  }
0x68: {  	s14 =	sor.u32 s11, s14;
	s16 =	rddreg [dreg:$0x6];
	[sflag:s26] =	ssyncset.done $0x0  }
0x69: {  	s25 =	sshrl.u32 s14, $0x3;
	[sflag:s26] =	ssyncadd.s32 $0xFFFFFC00;
	s13 =	sadd.s32 s18, s16  }
0x6a: {  	[hbm4b:s13+s28] =	stream.strided.scatter [tilespmem:s1], [sflag:$0x6], $0x400, s29, s28, $0x38;
	[tilespmem:$0x1FC50] =	vst v63  }
0x6b: {  	s13 =	sadd.s32 s2, s25  }
0x6c: {  	[tilespmem:s21], [sflag:$0x3] =	stream.strided.gather [hbm4b:s13+s28], $0x400, s29, s28, $0x38;
	[tilespmem:$0x1FC50] =	vst v63  }
0x6d: {  	_ =	swait.ge [sflag:s9], $0x400  }
0x6e: {  	[sflag:s9] =	ssyncset.done $0x0  }
0x6f: {  	s15 =	simm.s32 $0x300;
	[sflag:s9] =	ssyncadd.s32 $0xFFFFFC00  }
0x70: {  	s16 =	simm.s32 $0x18000;
	s30 =	rddreg [dreg:$0x1d];
	_ =	swait.ge [sflag:s7], $0x400  }
0x71: {  	s4 =	sadd.s32 s12, s30;
	s30 =	sshll.u32 s23, $0x1;
	s14 =	rddreg [dreg:$0x1e]  }
0x72: {  	s13 =	sadd.s32 s10, s4;
	[sflag:s7] =	ssyncset.done $0x0;
	s12 =	sadd.s32 s12, s14  }
0x73: {  	[sflag:s7] =	ssyncadd.s32 $0xFFFFFC00;
	s14 =	sand.u32 $0x300, s15;
	s15 =	sand.u32 $0x1E0000, s16  }
0x74: {  	[tilespmem:s1], [sflag:$0x4] =	stream.indirect.gather [spmem:s24], $0x1, s29, s29, $0xb8;
	[tilespmem:$0x1FC50] =	vst v63  }
0x75: {  	s10 =	sadd.s32 s10, s12;
	s19 =	sor.u32 s15, s14;
	_ =	swait.ge [sflag:s0], $0x400  }
0x76: {  	s12 =	sor.u32 s11, s19;
	s17 =	rddreg [dreg:$0x9];
	[sflag:s0] =	ssyncset.done $0x0  }
0x77: {  	s14 =	rddreg [dreg:$0xe];
	[sflag:s0] =	ssyncadd.s32 $0xFFFFFC00;
	s4 =	sadd.s32 s18, s17  }
0x78: {  	[hbm4b:s4+s28] =	stream.strided.scatter [tilespmem:s6], [sflag:$0x7], $0x400, s29, s28, $0x38;
	[tilespmem:$0x1FC50] =	vst v63  }
0x79: {  	s12 =	sshrl.u32 s12, $0x3;
	s4 =	sadd.s32 s14, s30  }
0x7a: {  	s10 =	sshrl.u32 s10, $0x3;
	s12 =	sadd.s32 s2, s12;
	s15 =	sshll.u32 s4, $0xE  }
0x7b: {  	[tilespmem:s22], [sflag:$0x1] =	stream.strided.gather [hbm4b:s12+s28], $0x400, s29, s28, $0x38;
	[tilespmem:$0x1FC50] =	vst v63  }
0x7c: {  	s19 =	sadd.s32 s10, s18;
	[smem:$0x7F8] =	sst s4;
	s10 =	sand.u32 $0xE0000, s15  }
0x7d: {  	s13 =	sshrl.u32 s13, $0x3;
	_ =	swait.ge [sflag:s20], $0x400;
	s5 =	sor.u32 s5, s10  }
0x7e: {  	s16 =	sshll.u32 s23, $0x8;
	s17 =	sor.u32 s11, s10;
	[smem:$0x7F9] =	sst s5  }
0x7f: {  	s25 =	sadd.s32 s13, s18;
	s12 =	sand.u32 $0x300, s16;
	[smem:$0x7FA] =	sst s17  }
0x80: {  	[sflag:s20] =	ssyncset.done $0x0;
	[smem:$0x7FB] =	sst s12;
	s4 =	sor.u32 s12, s17  }
0x81: {  	s13 =	sadd.s32 $0xC0000, s18;
	[sflag:s20] =	ssyncadd.s32 $0xFFFFFC00;
	[smem:$0x7FC] =	sst s4  }
0x82: {  	s30 =	simm.s32 $0x380;
	s14 =	simm.s32 $0x1;
	_ =	swait.ge [sflag:s8], $0x400  }
0x83: {  	s22 =	simm.s32 $0x1C000;
	s15 =	simm.s32 $0x34000;
	[sflag:s8] =	ssyncset.done $0x0  }
0x84: {  	s16 =	sand.u32 $0x380, s30;
	s10 =	sand.u32 $0x1E0000, s22;
	[sflag:s8] =	ssyncadd.s32 $0xFFFFFC00  }
0x85: {  	[tilespmem:s6], [sflag:$0x5] =	stream.indirect.gather [spmem:s24], $0x1, s21, s29, $0xb8;
	[tilespmem:$0x1FC50] =	vst v63  }
0x86: {  	s17 =	simm.s32 $0x680;
	s6 =	smov.u32 s24;
	s24 =	sadd.s32 $0x600000, s3  }
0x87: {  	s3 =	smov.u32 s18;
	s18 =	simm.s32 $0x0;
	_ =	swait.ge [sflag:s26], $0x400  }
.LBB2_3:
0x88: {  	s10 =	sor.u32 s10, s16  }
0x89: {  	[sflag:s26] =	ssyncset.done $0x0;
	s12 =	rddreg [dreg:$0x8];
	s10 =	sor.u32 s11, s10  }
0x8a: {  	[sflag:s26] =	ssyncadd.s32 $0xFFFFFC00;
	s12 =	sadd.s32 s3, s12;
	s10 =	sshrl.u32 s10, $0x3  }
0x8b: {  	[hbm4b:s12+s28] =	stream.strided.scatter [tilespmem:s1], [sflag:$0x6], $0x400, s29, s28, $0x38;
	[tilespmem:$0x1FC50] =	vst v63  }
0x8c: {  	s22 =	smov.u32 s15;
	s30 =	smov.u32 s23;
	s10 =	sadd.s32 s2, s10  }
0x8d: {  	[tilespmem:s29], [sflag:$0x2] =	stream.strided.gather [hbm4b:s10+s28], $0x400, s29, s28, $0x38;
	[tilespmem:$0x1FC50] =	vst v63  }
0x8e: {  	s5 =	sor.u32 s23, s14;
	p4 =	seq.s32 s22, $0x1C000;
	_ =	swait.ge [sflag:s31], $0x400  }
0x8f: {  	p3 =	seq.s32 s5, $0x0;
	s12 =	sadd.s32 @!p4 $0xFFFFFD80, s17;
	[sflag:s31] =	ssyncset.done $0x0  }
0x90: {  	s23 =	sadd.s32 @!p4 $0xFFFEC000, s22;
	s10 =	simm.s32 @!p3 $0x6;
	[sflag:s31] =	ssyncadd.s32 $0xFFFFFC00  }
0x91: {  	s12 =	sand.u32 @!p4 $0x300, s12;
	s23 =	sand.u32 @!p4 $0x1E0000, s23;
	_ =	swait.ge @!p3 [sflag:s10], $0x400  }
0x92: {  	s21 =	sshrl.u32 @!p4 s24, $0x3;
	s12 =	sor.u32 @!p4 s23, s12;
	[sflag:s10] =	ssyncset.done @!p3 $0x0  }
0x93: {  	s23 =	simm.s32 @!p4 $0x5;
	s12 =	sor.u32 @!p4 s11, s12;
	[sflag:s10] =	ssyncadd.s32 @!p3 $0xFFFFFC00  }
0x94: {  	[tilespmem:s1], [sflag:$0x4] =	stream.indirect.gather [spmem:s6], $0x1, s18, s29, $0xb8;
	[tilespmem:$0x1FC50] =	vst v63  }
0x95: {  	s12 =	sshrl.u32 @!p4 s12, $0x3;
	s4 =	rddreg [dreg:$0x2];
	_ =	swait.ge @!p4 [sflag:s23], $0x400  }
0x96: {  	s10 =	sadd.s32 @!p4 s4, s21;
	s21 =	simm.s32 @!p4 $0x80;
	[sflag:s23] =	ssyncset.done @!p4 $0x0  }
0x97: {  	s4 =	simm.s32 @!p4 $0x1000;
	[sflag:s23] =	ssyncadd.s32 @!p4 $0xFFFFFC00;
	s23 =	simm.s32 @!p4 $0x400  }
0x98: {  	[hbm4b:s10+s21] =	stream.strided.scatter @!p4 [tilespmem:s4], [sflag:$0x7], $0x400, s23, s21, $0x38;
	[tilespmem:$0x1FC50] =	vst v63  }
0x99: {  	s5 =	simm.s32 @!p4 $0x800;
	s12 =	sadd.s32 @!p4 s2, s12  }
0x9a: {  	[tilespmem:s5], [sflag:$0x3] =	stream.strided.gather @!p4 [hbm4b:s12+s21], $0x400, s23, s21, $0x38;
	[tilespmem:$0x1FC50] =	vst v63  }
0x9b: {  	_ =	swait.ge [sflag:s9], $0x400  }
0x9c: {  	[sflag:s9] =	ssyncset.done $0x0  }
0x9d: {  	s4 =	simm.s32 @!p3 $0x7;
	[sflag:s9] =	ssyncadd.s32 $0xFFFFFC00  }
0x9e: {  	s10 =	sadd.s32 $0xFFFFFE00, s17;
	_ =	swait.ge @!p3 [sflag:s4], $0x400  }
0x9f: {  	s12 =	sadd.s32 $0xFFFF0000, s22;
	s5 =	sand.u32 $0x380, s10;
	[sflag:s4] =	ssyncset.done @!p3 $0x0  }
0xa0: {  	s10 =	sand.u32 $0x1E0000, s12;
	s12 =	simm.s32 $0x1000;
	[sflag:s4] =	ssyncadd.s32 @!p3 $0xFFFFFC00  }
0xa1: {  	[tilespmem:s12], [sflag:$0x5] =	stream.indirect.gather [spmem:s6], $0x1, s29, s29, $0xb8;
	[tilespmem:$0x1FC50] =	vst v63  }
0xa2: {  	s4 =	sor.u32 s10, s5;
	_ =	swait.ge [sflag:s26], $0x400  }
0xa3: {  	s4 =	sor.u32 s11, s4;
	s10 =	rddreg [dreg:$0x7];
	[sflag:s26] =	ssyncset.done $0x0  }
0xa4: {  	s4 =	sshrl.u32 s4, $0x3;
	[sflag:s26] =	ssyncadd.s32 $0xFFFFFC00;
	s5 =	sadd.s32 s13, s10  }
0xa5: {  	[hbm4b:s5+s28] =	stream.strided.scatter [tilespmem:s1], [sflag:$0x6], $0x400, s29, s28, $0x38;
	[tilespmem:$0x1FC50] =	vst v63  }
0xa6: {  	s4 =	sadd.s32 s2, s4  }
0xa7: {  	[tilespmem:s18], [sflag:$0x1] =	stream.strided.gather [hbm4b:s4+s28], $0x400, s29, s28, $0x38;
	[tilespmem:$0x1FC50] =	vst v63  }
0xa8: {  	_ =	swait.ge [sflag:s20], $0x400  }
0xa9: {  	[sflag:s20] =	ssyncset.done $0x0  }
0xaa: {  	[sflag:s20] =	ssyncadd.s32 $0xFFFFFC00  }
0xab: {  	s21 =	simm.s32 $0x800;
	_ =	swait.ge [sflag:s7], $0x400  }
0xac: {  	s10 =	sadd.s32 $0xFFFF4000, s22;
	s4 =	sadd.s32 $0xFFFFFE80, s17;
	[sflag:s7] =	ssyncset.done $0x0  }
0xad: {  	s10 =	sand.u32 $0x1E0000, s10;
	s4 =	sand.u32 $0x300, s4;
	[sflag:s7] =	ssyncadd.s32 $0xFFFFFC00  }
0xae: {  	[tilespmem:s1], [sflag:$0x4] =	stream.indirect.gather [spmem:s6], $0x1, s21, s29, $0xb8;
	[tilespmem:$0x1FC50] =	vst v63  }
0xaf: {  	s4 =	sor.u32 s10, s4;
	_ =	swait.ge [sflag:s0], $0x400  }
0xb0: {  	s4 =	sor.u32 s11, s4;
	[sflag:s0] =	ssyncset.done $0x0  }
0xb1: {  	s5 =	sadd.s32 $0x20000, s5;
	s4 =	sshrl.u32 s4, $0x3;
	[sflag:s0] =	ssyncadd.s32 $0xFFFFFC00  }
0xb2: {  	[hbm4b:s5+s28] =	stream.strided.scatter [tilespmem:s12], [sflag:$0x7], $0x400, s29, s28, $0x38;
	[tilespmem:$0x1FC50] =	vst v63  }
0xb3: {  	s4 =	sadd.s32 s2, s4  }
0xb4: {  	[tilespmem:s29], [sflag:$0x2] =	stream.strided.gather [hbm4b:s4+s28], $0x400, s29, s28, $0x38;
	[tilespmem:$0x1FC50] =	vst v63  }
0xb5: {  	_ =	swait.ge [sflag:s31], $0x400  }
0xb6: {  	[sflag:s31] =	ssyncset.done $0x0  }
0xb7: {  	[sflag:s31] =	ssyncadd.s32 $0xFFFFFC00  }
0xb8: {  	_ =	swait.ge [sflag:s8], $0x400  }
0xb9: {  	s10 =	sadd.s32 $0xFFFF8000, s22;
	s5 =	sadd.s32 $0xFFFFFF00, s17;
	[sflag:s8] =	ssyncset.done $0x0  }
0xba: {  	s10 =	sand.u32 $0x1E0000, s10;
	s5 =	sand.u32 $0x380, s5;
	[sflag:s8] =	ssyncadd.s32 $0xFFFFFC00  }
0xbb: {  	[tilespmem:s12], [sflag:$0x5] =	stream.indirect.gather [spmem:s6], $0x1, s18, s29, $0xb8;
	[tilespmem:$0x1FC50] =	vst v63  }
0xbc: {  	s5 =	sor.u32 s10, s5;
	_ =	swait.ge [sflag:s26], $0x400  }
0xbd: {  	s5 =	sor.u32 s11, s5;
	s4 =	rddreg [dreg:$0x6];
	[sflag:s26] =	ssyncset.done $0x0  }
0xbe: {  	s5 =	sshrl.u32 s5, $0x3;
	[sflag:s26] =	ssyncadd.s32 $0xFFFFFC00;
	s4 =	sadd.s32 s13, s4  }
0xbf: {  	[hbm4b:s4+s28] =	stream.strided.scatter [tilespmem:s1], [sflag:$0x6], $0x400, s29, s28, $0x38;
	[tilespmem:$0x1FC50] =	vst v63  }
0xc0: {  	s4 =	sadd.s32 s2, s5  }
0xc1: {  	[tilespmem:s21], [sflag:$0x3] =	stream.strided.gather [hbm4b:s4+s28], $0x400, s29, s28, $0x38;
	[tilespmem:$0x1FC50] =	vst v63  }
0xc2: {  	_ =	swait.ge [sflag:s9], $0x400  }
0xc3: {  	[sflag:s9] =	ssyncset.done $0x0  }
0xc4: {  	[sflag:s9] =	ssyncadd.s32 $0xFFFFFC00  }
0xc5: {  	_ =	swait.ge [sflag:s7], $0x400  }
0xc6: {  	s5 =	sadd.s32 $0xFFFFC000, s22;
	s4 =	sadd.s32 $0xFFFFFF80, s17;
	[sflag:s7] =	ssyncset.done $0x0  }
0xc7: {  	s5 =	sand.u32 $0x1E0000, s5;
	s4 =	sand.u32 $0x300, s4;
	[sflag:s7] =	ssyncadd.s32 $0xFFFFFC00  }
0xc8: {  	[tilespmem:s1], [sflag:$0x4] =	stream.indirect.gather [spmem:s6], $0x1, s29, s29, $0xb8;
	[tilespmem:$0x1FC50] =	vst v63  }
0xc9: {  	s4 =	sor.u32 s5, s4;
	_ =	swait.ge [sflag:s0], $0x400  }
0xca: {  	s4 =	sor.u32 s11, s4;
	s10 =	rddreg [dreg:$0x9];
	[sflag:s0] =	ssyncset.done $0x0  }
0xcb: {  	s4 =	sshrl.u32 s4, $0x3;
	[sflag:s0] =	ssyncadd.s32 $0xFFFFFC00;
	s10 =	sadd.s32 s13, s10  }
0xcc: {  	[hbm4b:s10+s28] =	stream.strided.scatter [tilespmem:s12], [sflag:$0x7], $0x400, s29, s28, $0x38;
	[tilespmem:$0x1FC50] =	vst v63  }
0xcd: {  	s4 =	sadd.s32 s2, s4  }
0xce: {  	[tilespmem:s18], [sflag:$0x1] =	stream.strided.gather [hbm4b:s4+s28], $0x400, s29, s28, $0x38;
	[tilespmem:$0x1FC50] =	vst v63  }
0xcf: {  	_ =	swait.ge [sflag:s20], $0x400  }
0xd0: {  	s15 =	sadd.s32 $0x18000, s15;
	[sflag:s20] =	ssyncset.done $0x0  }
0xd1: {  	s16 =	sand.u32 $0x380, s17;
	p2 =	sne.s32 s15, $0xDC000;
	[sflag:s20] =	ssyncadd.s32 $0xFFFFFC00  }
.Ltmp0:
0xd2: {  	s14 =	sadd.s32 $0x1, s14;
	_ =	swait.ge [sflag:s8], $0x400;
	(pc) =	sbr.rel @p2 .LBB2_3-.Ltmp0, $4  }
0xd3: {  	s3 =	smov.u32 s13;
	s24 =	sadd.s32 $0x600000, s24;
	[sflag:s8] =	ssyncset.done $0x0  }
0xd4: {  	s23 =	smov.u32 s30;
	s17 =	sadd.s32 $0x300, s17;
	[sflag:s8] =	ssyncadd.s32 $0xFFFFFC00  }
0xd5: {  	[tilespmem:s12], [sflag:$0x5] =	stream.indirect.gather [spmem:s6], $0x1, s21, s29, $0xb8;
	[tilespmem:$0x1FC50] =	vst v63  }
0xd6: {  	s13 =	sadd.s32 $0xC0000, s13;
	s10 =	sand.u32 $0x1E0000, s22;
	_ =	swait.ge [sflag:s26], $0x400  }
0xd7: {  	s12 =	rddreg [dreg:$0x2];
	s5 =	sor.u32 s10, s16  }
0xd8: {  	s4 =	rddreg [dreg:$0x8];
	[sflag:s26] =	ssyncset.done $0x0;
	s5 =	sor.u32 s11, s5  }
0xd9: {  	[sflag:s26] =	ssyncadd.s32 $0xFFFFFC00;
	s3 =	sadd.s32 s3, s4;
	s14 =	sshrl.u32 s5, $0x3  }
0xda: {  	[hbm4b:s3+s28] =	stream.strided.scatter [tilespmem:s1], [sflag:$0x6], $0x400, s29, s28, $0x38;
	[tilespmem:$0x1FC50] =	vst v63  }
0xdb: {  	s15 =	sadd.s32 s2, s14  }
0xdc: {  	[tilespmem:s29], [sflag:$0x2] =	stream.strided.gather [hbm4b:s15+s28], $0x400, s29, s28, $0x38;
	[tilespmem:$0x1FC50] =	vst v63  }
0xdd: {  	_ =	swait.ge [sflag:s31], $0x400  }
0xde: {  	[sflag:s31] =	ssyncset.done $0x0  }
0xdf: {  	[sflag:s31] =	ssyncadd.s32 $0xFFFFFC00  }
0xe0: {  	_ =	swait.ge [sflag:s7], $0x400  }
0xe1: {  	[sflag:s7] =	ssyncset.done $0x0  }
0xe2: {  	[sflag:s7] =	ssyncadd.s32 $0xFFFFFC00  }
0xe3: {  	[tilespmem:s1], [sflag:$0x4] =	stream.indirect.gather [spmem:s6], $0x1, s18, s29, $0xb8;
	[tilespmem:$0x1FC50] =	vst v63  }
0xe4: {  	_ =	swait.ge [sflag:s0], $0x400  }
0xe5: {  	s16 =	sld [smem:$0x7FC];
	_ =	sdelay $0x2  }
0xe6: {  	[sflag:s0] =	ssyncset.done $0x0;
	s17 =	rddreg [dreg:$0x14];
	s3 =	sshrl.u32 s16, $0x3  }
0xe7: {  	s18 =	simm.s32 $0x1000;
	[sflag:s0] =	ssyncadd.s32 $0xFFFFFC00;
	s4 =	sadd.s32 s3, s17  }
0xe8: {  	[hbm4b:s4+s28] =	stream.strided.scatter [tilespmem:s18], [sflag:$0x7], $0x400, s29, s28, $0x38;
	[tilespmem:$0x1FC50] =	vst v63  }
0xe9: {  	_ =	swait.ge [sflag:s9], $0x400  }
0xea: {  	[sflag:s9] =	ssyncset.done $0x0  }
0xeb: {  	[sflag:s9] =	ssyncadd.s32 $0xFFFFFC00  }
0xec: {  	_ =	swait.ge [sflag:s8], $0x400  }
0xed: {  	[sflag:s8] =	ssyncset.done $0x0  }
0xee: {  	[sflag:s8] =	ssyncadd.s32 $0xFFFFFC00  }
0xef: {  	[tilespmem:s18], [sflag:$0x5] =	stream.indirect.gather [spmem:s6], $0x1, s29, s29, $0xb8;
	[tilespmem:$0x1FC50] =	vst v63  }
0xf0: {  	p2 =	sne.s32 s23, $0xF;
	_ =	swait.ge [sflag:s26], $0x400  }
0xf1: {  	p2 =	por !p1, !p2;
	[sflag:s26] =	ssyncset.done $0x0;
	s22 =	rddreg [dreg:$0x15]  }
0xf2: {  	p2 =	por !p2, !p2;
	[sflag:s26] =	ssyncadd.s32 $0xFFFFFC00;
	s4 =	sadd.s32 s3, s22  }
0xf3: {  	[hbm4b:s4+s28] =	stream.strided.scatter [tilespmem:s1], [sflag:$0x6], $0x400, s29, s28, $0x38;
	[tilespmem:$0x1FC50] =	vst v63  }
.Ltmp1:
0xf4: {  	_ = 	snop;
	(pc) =	sbr.rel @!p2 .LBB2_6-.Ltmp1, $4  }
0xf5: {  	_ =	swait.ge [sflag:s0], $0x400  }
0xf6: {  	s14 =	simm.s32 $0x1000;
	[sflag:s0] =	ssyncset.done $0x0;
	s24 =	rddreg [dreg:$0x16]  }
0xf7: {  	s22 =	simm.s32 $0x0;
	[sflag:s0] =	ssyncadd.s32 $0xFFFFFC00;
	s3 =	sadd.s32 s3, s24  }
0xf8: {  	[hbm4b:s3+s28] =	stream.strided.scatter [tilespmem:s18], [sflag:$0x7], $0x400, s29, s28, $0x38;
	[tilespmem:$0x1FC50] =	vst v63  }
0xf9: {  	s3 =	sld [smem:$0x7F8];
	_ =	sdelay $0x2  }
0xfa: {  	s3 =	sadd.s32 $0x2, s3  }
0xfb: {  	s4 =	sshrl.u32 s3, $0x3  }
0xfc: {  	s3 =	sshll.u32 s3, $0x7;
	s4 =	smul.u32 $0x7A1400, s4  }
0xfd: {  	s3 =	sand.u32 $0x300, s3  }
0xfe: {  	s3 =	sor.u32 s3, s4  }
0xff: {  	s16 =	rddreg [dreg:$0x0];
	s17 =	sshrl.u32 s6, $0x3;
	s3 =	sshrl.u32 s3, $0x3  }
0x100: {  	s5 =	simm.s32 $0x10;
	s18 =	simm.s32 $0x1C08;
	s3 =	sadd.s32 s16, s3  }
0x101: {  	[spmem:s17@s5], [sflag:s18] =	dma.strided [hbm:s3@s28], $0x1E850, s31, $0x10   }
0x102: {  	s3 =	rddreg [dreg:$0x10]  }
0x103: {  	[tilespmem:s22], [sflag:$0x1] =	stream.strided.gather [hbm4b:s3+s28], $0x400, s29, s28, $0x38;
	[tilespmem:$0x1FC50] =	vst v63  }
.Ltmp2:
0x104: {  	s23 =	rddreg [dreg:$0x11];
	(pc) =	sbr.rel .LBB2_7-.Ltmp2, $4  }
0x105: {  	s24 =	rddreg [dreg:$0x12]  }
0x106: {  	[tilespmem:s29], [sflag:$0x2] =	stream.strided.gather [hbm4b:s23+s28], $0x400, s29, s28, $0x38;
	[tilespmem:$0x1FC50] =	vst v63  }
0x107: {  	s18 =	smov.u32 s12;
	s6 =	rddreg [dreg:$0x4]  }
0x108: {  	[tilespmem:s21], [sflag:$0x3] =	stream.strided.gather [hbm4b:s24+s28], $0x400, s29, s28, $0x38;
	[tilespmem:$0x1FC50] =	vst v63  }
.LBB2_6:
0x109: {  	s3 =	rddreg [dreg:$0x10]  }
0x10a: {  	[tilespmem:s22], [sflag:$0x1] =	stream.strided.gather [hbm4b:s3+s28], $0x400, s29, s28, $0x38;
	[tilespmem:$0x1FC50] =	vst v63  }
.Ltmp3:
0x10b: {  	s23 =	rddreg [dreg:$0x11];
	(pc) =	sbr.rel @p0 .LBB2_8-.Ltmp3, $4  }
0x10c: {  	s24 =	rddreg [dreg:$0x12]  }
0x10d: {  	[tilespmem:s29], [sflag:$0x2] =	stream.strided.gather [hbm4b:s23+s28], $0x400, s29, s28, $0x38;
	[tilespmem:$0x1FC50] =	vst v63  }
0x10e: {  	s18 =	smov.u32 s12;
	s6 =	rddreg [dreg:$0x4]  }
0x10f: {  	[tilespmem:s21], [sflag:$0x3] =	stream.strided.gather [hbm4b:s24+s28], $0x400, s29, s28, $0x38;
	[tilespmem:$0x1FC50] =	vst v63  }
.LBB2_7:
0x110: {  	s3 =	simm.s32 $0x9  }
0x111: {  	_ =	swait.ge [sflag:s3], $0x1E850  }
0x112: {  	[sflag:s3] =	ssyncset.done $0x0  }
0x113: {  	[sflag:s3] =	ssyncadd.s32 $0xFFFE17B0  }
.LBB2_8:
0x114: {  	s3 =	sld [smem:$0x7FB]  }
0x115: {  	s4 =	sld [smem:$0x7F9];
	_ =	sdelay $0x1  }
0x116: {  	s3 =	sor.u32 $0x80, s3  }
0x117: {  	s4 =	sor.u32 s3, s4  }
0x118: {  	[dreg:$0xc] =	wrdreg s4  }
0x119: {  	_ =	swait.ge [sflag:s31], $0x400  }
0x11a: {  	[sflag:s31] =	ssyncset.done $0x0  }
0x11b: {  	[sflag:s31] =	ssyncadd.s32 $0xFFFFFC00  }
0x11c: {  	p3 =	por $0x1, $0x1;
	_ =	swait.ge [sflag:s7], $0x400  }
0x11d: {  	s5 =	simm.s32 @!p3 $0x100;
	[sflag:s7] =	ssyncset.done $0x0  }
0x11e: {  	s10 =	simm.s32 @!p3 $0x8000;
	s4 =	simm.s32 @!p3 $0x5;
	[sflag:s7] =	ssyncadd.s32 $0xFFFFFC00  }
0x11f: {  	[tilespmem:s1], [sflag:$0x4] =	stream.indirect.gather [spmem:s6], $0x1, s22, s29, $0xb8;
	[tilespmem:$0x1FC50] =	vst v63  }
0x120: {  	s5 =	sand.u32 @!p3 $0x300, s5;
	s10 =	sand.u32 @!p3 $0x1E0000, s10;
	_ =	swait.ge @!p3 [sflag:s4], $0x400  }
0x121: {  	s13 =	simm.s32 @!p3 $0x400;
	s5 =	sor.u32 @!p3 s10, s5;
	s12 =	rddreg [dreg:$0xb]  }
0x122: {  	s10 =	simm.s32 @!p3 $0x1000;
	s5 =	sor.u32 @!p3 s11, s5;
	s12 =	sadd.s32 @!p3 $0x0, s12  }
0x123: {  	s5 =	sshrl.u32 @!p3 s5, $0x3;
	[sflag:s4] =	ssyncset.done @!p3 $0x0;
	s12 =	sshrl.u32 @!p3 s12, $0x3  }
0x124: {  	[sflag:s4] =	ssyncadd.s32 @!p3 $0xFFFFFC00;
	s4 =	sadd.s32 @!p3 s18, s12;
	s12 =	simm.s32 @!p3 $0x80  }
0x125: {  	[hbm4b:s4+s12] =	stream.strided.scatter @!p3 [tilespmem:s10], [sflag:$0x7], $0x400, s13, s12, $0x38;
	[tilespmem:$0x1FC50] =	vst v63  }
0x126: {  	s4 =	sadd.s32 @!p3 s2, s5;
	s5 =	simm.s32 @!p3 $0x800  }
0x127: {  	[tilespmem:s5], [sflag:$0x3] =	stream.strided.gather @!p3 [hbm4b:s4+s12], $0x400, s13, s12, $0x38;
	[tilespmem:$0x1FC50] =	vst v63  }
0x128: {  	_ =	swait.ge [sflag:s9], $0x400  }
0x129: {  	[sflag:s9] =	ssyncset.done $0x0  }
0x12a: {  	s12 =	simm.s32 $0x180;
	s10 =	sld [smem:$0x7FA];
	[sflag:s9] =	ssyncadd.s32 $0xFFFFFC00  }
0x12b: {  	s13 =	simm.s32 $0xC000;
	s5 =	simm.s32 $0x0;
	_ =	swait.ge [sflag:s8], $0x400  }
0x12c: {  	s4 =	sand.u32 $0x1E0000, s13;
	s5 =	simm.s32 @p3 $0x0;
	[sflag:s8] =	ssyncset.done $0x0  }
0x12d: {  	s10 =	sor.u32 s3, s10;
	s3 =	sand.u32 $0x380, s12;
	[sflag:s8] =	ssyncadd.s32 $0xFFFFFC00  }
0x12e: {  	[tilespmem:s14], [sflag:$0x5] =	stream.indirect.gather [spmem:s6], $0x1, s29, s29, $0xb8;
	[tilespmem:$0x1FC50] =	vst v63  }
0x12f: {  	s3 =	sor.u32 s4, s3;
	s15 =	sor.u32 s5, s10;
	_ =	swait.ge [sflag:s26], $0x400  }
0x130: {  	s3 =	sor.u32 s11, s3;
	s4 =	sshrl.u32 s15, $0x3;
	[sflag:s26] =	ssyncset.done $0x0  }
0x131: {  	s3 =	sshrl.u32 s3, $0x3;
	s16 =	sadd.s32 s18, s4;
	[sflag:s26] =	ssyncadd.s32 $0xFFFFFC00  }
0x132: {  	[hbm4b:s16+s28] =	stream.strided.scatter [tilespmem:s1], [sflag:$0x6], $0x400, s29, s28, $0x38;
	[tilespmem:$0x1FC50] =	vst v63  }
0x133: {  	s3 =	sadd.s32 s2, s3  }
0x134: {  	[tilespmem:s22], [sflag:$0x1] =	stream.strided.gather [hbm4b:s3+s28], $0x400, s29, s28, $0x38;
	[tilespmem:$0x1FC50] =	vst v63  }
0x135: {  	_ =	swait.ge [sflag:s20], $0x400  }
0x136: {  	[sflag:s20] =	ssyncset.done $0x0  }
0x137: {  	[sflag:s20] =	ssyncadd.s32 $0xFFFFFC00  }
0x138: {  	_ =	swait.ge [sflag:s7], $0x400  }
0x139: {  	s17 =	simm.s32 $0x200;
	s23 =	simm.s32 $0x10000;
	[sflag:s7] =	ssyncset.done $0x0  }
0x13a: {  	s12 =	sand.u32 $0x1E0000, s23;
	s3 =	sand.u32 $0x300, s17;
	[sflag:s7] =	ssyncadd.s32 $0xFFFFFC00  }
0x13b: {  	[tilespmem:s1], [sflag:$0x4] =	stream.indirect.gather [spmem:s6], $0x1, s21, s29, $0xb8;
	[tilespmem:$0x1FC50] =	vst v63  }
0x13c: {  	s3 =	sor.u32 s12, s3;
	_ =	swait.ge [sflag:s0], $0x400  }
0x13d: {  	s3 =	sor.u32 s11, s3;
	s24 =	rddreg [dreg:$0xa];
	[sflag:s0] =	ssyncset.done $0x0  }
0x13e: {  	s3 =	sshrl.u32 s3, $0x3;
	[sflag:s0] =	ssyncadd.s32 $0xFFFFFC00;
	s4 =	sadd.s32 s4, s24  }
0x13f: {  	[hbm4b:s4+s28] =	stream.strided.scatter [tilespmem:s14], [sflag:$0x7], $0x400, s29, s28, $0x38;
	[tilespmem:$0x1FC50] =	vst v63  }
0x140: {  	s3 =	sadd.s32 s2, s3  }
0x141: {  	[tilespmem:s29], [sflag:$0x2] =	stream.strided.gather [hbm4b:s3+s28], $0x400, s29, s28, $0x38;
	[tilespmem:$0x1FC50] =	vst v63  }
0x142: {  	_ =	swait.ge [sflag:s31], $0x400  }
0x143: {  	[sflag:s31] =	ssyncset.done $0x0  }
0x144: {  	[sflag:s31] =	ssyncadd.s32 $0xFFFFFC00  }
0x145: {  	_ =	swait.ge [sflag:s8], $0x400  }
0x146: {  	[sflag:s8] =	ssyncset.done $0x0  }
0x147: {  	[sflag:s8] =	ssyncadd.s32 $0xFFFFFC00  }
0x148: {  	[tilespmem:s14], [sflag:$0x5] =	stream.indirect.gather [spmem:s6], $0x1, s22, s29, $0xb8;
	[tilespmem:$0x1FC50] =	vst v63  }
0x149: {  	s15 =	simm.s32 $0x280;
	s16 =	simm.s32 $0x14000;
	_ =	swait.ge [sflag:s26], $0x400  }
0x14a: {  	s12 =	sand.u32 $0x1E0000, s16;
	s4 =	sand.u32 $0x380, s15;
	s14 =	rddreg [dreg:$0xc]  }
0x14b: {  	s4 =	sor.u32 s12, s4;
	s3 =	sadd.s32 s14, s5  }
0x14c: {  	s4 =	sor.u32 s11, s4;
	[sflag:s26] =	ssyncset.done $0x0;
	s3 =	sshrl.u32 s3, $0x3  }
0x14d: {  	s4 =	sshrl.u32 s4, $0x3;
	[sflag:s26] =	ssyncadd.s32 $0xFFFFFC00;
	s3 =	sadd.s32 s18, s3  }
0x14e: {  	[hbm4b:s3+s28] =	stream.strided.scatter [tilespmem:s1], [sflag:$0x6], $0x400, s29, s28, $0x38;
	[tilespmem:$0x1FC50] =	vst v63  }
0x14f: {  	s13 =	simm.s32 $0x380;
	s23 =	simm.s32 $0x300;
	s17 =	sadd.s32 s2, s4  }
0x150: {  	[tilespmem:s21], [sflag:$0x3] =	stream.strided.gather [hbm4b:s17+s28], $0x400, s29, s28, $0x38;
	[tilespmem:$0x1FC50] =	vst v63  }
0x151: {  	s16 =	simm.s32 $0x34000;
	s24 =	simm.s32 $0x18000;
	_ =	swait.ge [sflag:s9], $0x400  }
0x152: {  	s4 =	sand.u32 $0x1E0000, s24;
	s3 =	sand.u32 $0x300, s23;
	[sflag:s9] =	ssyncset.done $0x0  }
0x153: {  	s15 =	simm.s32 $0x0;
	s3 =	sor.u32 s4, s3;
	[sflag:s9] =	ssyncadd.s32 $0xFFFFFC00  }
0x154: {  	s12 =	smov.u32 s25;
	s3 =	sor.u32 s11, s3;
	_ =	swait.ge [sflag:s7], $0x400  }
0x155: {  	s24 =	simm.s32 $0x1000;
	s3 =	sshrl.u32 s3, $0x3;
	[sflag:s7] =	ssyncset.done $0x0  }
0x156: {  	s14 =	simm.s32 $0x1C000;
	s3 =	sadd.s32 s2, s3;
	[sflag:s7] =	ssyncadd.s32 $0xFFFFFC00  }
0x157: {  	[tilespmem:s1], [sflag:$0x4] =	stream.indirect.gather [spmem:s6], $0x1, s29, s29, $0xb8;
	[tilespmem:$0x1FC50] =	vst v63  }
.LBB2_9:
0x158: {  	_ =	swait.ge [sflag:s0], $0x400  }
0x159: {  	[sflag:s0] =	ssyncset.done $0x0  }
0x15a: {  	[sflag:s0] =	ssyncadd.s32 $0xFFFFFC00  }
0x15b: {  	[hbm4b:s19+s28] =	stream.strided.scatter [tilespmem:s24], [sflag:$0x7], $0x400, s29, s28, $0x38;
	[tilespmem:$0x1FC50] =	vst v63  }
0x15c: {  	_ = 	snop  }
0x15d: {  	[tilespmem:s22], [sflag:$0x1] =	stream.strided.gather [hbm4b:s3+s28], $0x400, s29, s28, $0x38;
	[tilespmem:$0x1FC50] =	vst v63  }
0x15e: {  	_ =	swait.ge [sflag:s20], $0x400  }
0x15f: {  	[sflag:s20] =	ssyncset.done $0x0  }
0x160: {  	[sflag:s20] =	ssyncadd.s32 $0xFFFFFC00  }
0x161: {  	_ =	swait.ge [sflag:s8], $0x400  }
0x162: {  	[sflag:s8] =	ssyncset.done $0x0  }
0x163: {  	s5 =	sand.u32 $0x380, s13;
	s14 =	sand.u32 $0x1E0000, s14;
	[sflag:s8] =	ssyncadd.s32 $0xFFFFFC00  }
0x164: {  	[tilespmem:s24], [sflag:$0x5] =	stream.indirect.gather [spmem:s6], $0x1, s21, s29, $0xb8;
	[tilespmem:$0x1FC50] =	vst v63  }
0x165: {  	s4 =	smov.u32 s16;
	s5 =	sor.u32 s14, s5;
	_ =	swait.ge [sflag:s26], $0x400  }
0x166: {  	s14 =	smov.u32 s4;
	s4 =	sor.u32 s11, s5;
	[sflag:s26] =	ssyncset.done $0x0  }
0x167: {  	s3 =	sshrl.u32 s4, $0x3;
	[sflag:s26] =	ssyncadd.s32 $0xFFFFFC00  }
0x168: {  	[hbm4b:s12+s28] =	stream.strided.scatter [tilespmem:s1], [sflag:$0x6], $0x400, s29, s28, $0x38;
	[tilespmem:$0x1FC50] =	vst v63  }
0x169: {  	s3 =	sadd.s32 s2, s3  }
0x16a: {  	[tilespmem:s29], [sflag:$0x2] =	stream.strided.gather [hbm4b:s3+s28], $0x400, s29, s28, $0x38;
	[tilespmem:$0x1FC50] =	vst v63  }
0x16b: {  	s13 =	sadd.s32 $0x300, s13;
	_ =	swait.ge [sflag:s31], $0x400  }
0x16c: {  	s15 =	sadd.s32 $0x600000, s15;
	s17 =	sadd.s32 $0xFFFFFE00, s13;
	[sflag:s31] =	ssyncset.done $0x0  }
0x16d: {  	p4 =	seq.s32 s14, $0x1C000;
	s17 =	sand.u32 $0x380, s17;
	[sflag:s31] =	ssyncadd.s32 $0xFFFFFC00  }
0x16e: {  	s5 =	sadd.s32 @!p4 $0xFFFEC000, s14;
	s4 =	sadd.s32 @!p4 $0xFFFFFD80, s13;
	_ =	swait.ge [sflag:s7], $0x400  }
0x16f: {  	s5 =	sand.u32 @!p4 $0x1E0000, s5;
	s4 =	sand.u32 @!p4 $0x300, s4;
	[sflag:s7] =	ssyncset.done $0x0  }
0x170: {  	s4 =	sor.u32 @!p4 s5, s4;
	s5 =	simm.s32 @!p4 $0x5;
	[sflag:s7] =	ssyncadd.s32 $0xFFFFFC00  }
0x171: {  	[tilespmem:s1], [sflag:$0x4] =	stream.indirect.gather [spmem:s6], $0x1, s22, s29, $0xb8;
	[tilespmem:$0x1FC50] =	vst v63  }
0x172: {  	s4 =	sor.u32 @!p4 s11, s4;
	s21 =	sadd.s32 $0xFFFF0000, s14;
	_ =	swait.ge @!p4 [sflag:s5], $0x400  }
0x173: {  	s4 =	sshrl.u32 @!p4 s4, $0x3;
	s21 =	sand.u32 $0x1E0000, s21;
	s22 =	rddreg [dreg:$0xb]  }
0x174: {  	s17 =	sor.u32 s21, s17;
	s3 =	simm.s32 @!p4 $0x1000;
	s21 =	sadd.s32 @!p4 s15, s22  }
0x175: {  	[sflag:s5] =	ssyncset.done @!p4 $0x0;
	s22 =	simm.s32 @!p4 $0x400;
	s21 =	sshrl.u32 @!p4 s21, $0x3  }
0x176: {  	[sflag:s5] =	ssyncadd.s32 @!p4 $0xFFFFFC00;
	s5 =	sadd.s32 @!p4 s18, s21;
	s21 =	simm.s32 @!p4 $0x80  }
0x177: {  	[hbm4b:s5+s21] =	stream.strided.scatter @!p4 [tilespmem:s3], [sflag:$0x7], $0x400, s22, s21, $0x38;
	[tilespmem:$0x1FC50] =	vst v63  }
0x178: {  	s23 =	simm.s32 @!p4 $0x800;
	s4 =	sadd.s32 @!p4 s2, s4  }
0x179: {  	[tilespmem:s23], [sflag:$0x3] =	stream.strided.gather @!p4 [hbm4b:s4+s21], $0x400, s22, s21, $0x38;
	[tilespmem:$0x1FC50] =	vst v63  }
0x17a: {  	_ =	swait.ge [sflag:s9], $0x400  }
0x17b: {  	[sflag:s9] =	ssyncset.done $0x0  }
0x17c: {  	[sflag:s9] =	ssyncadd.s32 $0xFFFFFC00  }
0x17d: {  	_ =	swait.ge [sflag:s8], $0x400  }
0x17e: {  	s3 =	smov.u32 s15;
	[sflag:s8] =	ssyncset.done $0x0  }
0x17f: {  	s3 =	simm.s32 @p4 $0x0;
	[sflag:s8] =	ssyncadd.s32 $0xFFFFFC00  }
0x180: {  	[tilespmem:s24], [sflag:$0x5] =	stream.indirect.gather [spmem:s6], $0x1, s29, s29, $0xb8;
	[tilespmem:$0x1FC50] =	vst v63  }
0x181: {  	s5 =	sor.u32 s3, s10;
	_ =	swait.ge [sflag:s26], $0x400  }
0x182: {  	s17 =	sor.u32 s11, s17;
	s4 =	sshrl.u32 s5, $0x3;
	[sflag:s26] =	ssyncset.done $0x0  }
0x183: {  	s17 =	sshrl.u32 s17, $0x3;
	s21 =	sadd.s32 s18, s4;
	[sflag:s26] =	ssyncadd.s32 $0xFFFFFC00  }
0x184: {  	[hbm4b:s21+s28] =	stream.strided.scatter [tilespmem:s1], [sflag:$0x6], $0x400, s29, s28, $0x38;
	[tilespmem:$0x1FC50] =	vst v63  }
0x185: {  	s22 =	simm.s32 $0x0;
	s5 =	sadd.s32 s2, s17  }
0x186: {  	[tilespmem:s22], [sflag:$0x1] =	stream.strided.gather [hbm4b:s5+s28], $0x400, s29, s28, $0x38;
	[tilespmem:$0x1FC50] =	vst v63  }
0x187: {  	_ =	swait.ge [sflag:s20], $0x400  }
0x188: {  	[sflag:s20] =	ssyncset.done $0x0  }
0x189: {  	s23 =	sadd.s32 $0xFFFFFE80, s13;
	[sflag:s20] =	ssyncadd.s32 $0xFFFFFC00  }
0x18a: {  	s17 =	sand.u32 $0x300, s23;
	s23 =	sadd.s32 $0xFFFF4000, s14;
	_ =	swait.ge [sflag:s7], $0x400  }
0x18b: {  	s21 =	sand.u32 $0x1E0000, s23;
	[sflag:s7] =	ssyncset.done $0x0  }
0x18c: {  	s17 =	sor.u32 s21, s17;
	s21 =	simm.s32 $0x800;
	[sflag:s7] =	ssyncadd.s32 $0xFFFFFC00  }
0x18d: {  	[tilespmem:s1], [sflag:$0x4] =	stream.indirect.gather [spmem:s6], $0x1, s21, s29, $0xb8;
	[tilespmem:$0x1FC50] =	vst v63  }
0x18e: {  	_ =	swait.ge [sflag:s0], $0x400  }
0x18f: {  	s5 =	sor.u32 s11, s17;
	s23 =	rddreg [dreg:$0xa];
	[sflag:s0] =	ssyncset.done $0x0  }
0x190: {  	s5 =	sshrl.u32 s5, $0x3;
	[sflag:s0] =	ssyncadd.s32 $0xFFFFFC00;
	s4 =	sadd.s32 s4, s23  }
0x191: {  	[hbm4b:s4+s28] =	stream.strided.scatter [tilespmem:s24], [sflag:$0x7], $0x400, s29, s28, $0x38;
	[tilespmem:$0x1FC50] =	vst v63  }
0x192: {  	s5 =	sadd.s32 s2, s5  }
0x193: {  	[tilespmem:s29], [sflag:$0x2] =	stream.strided.gather [hbm4b:s5+s28], $0x400, s29, s28, $0x38;
	[tilespmem:$0x1FC50] =	vst v63  }
0x194: {  	_ =	swait.ge [sflag:s31], $0x400  }
0x195: {  	[sflag:s31] =	ssyncset.done $0x0  }
0x196: {  	[sflag:s31] =	ssyncadd.s32 $0xFFFFFC00  }
0x197: {  	_ =	swait.ge [sflag:s8], $0x400  }
0x198: {  	[sflag:s8] =	ssyncset.done $0x0  }
0x199: {  	[sflag:s8] =	ssyncadd.s32 $0xFFFFFC00  }
0x19a: {  	[tilespmem:s24], [sflag:$0x5] =	stream.indirect.gather [spmem:s6], $0x1, s22, s29, $0xb8;
	[tilespmem:$0x1FC50] =	vst v63  }
0x19b: {  	s17 =	sadd.s32 $0xFFFFFF00, s13;
	s23 =	sadd.s32 $0xFFFF8000, s14;
	_ =	swait.ge [sflag:s26], $0x400  }
0x19c: {  	s5 =	sand.u32 $0x380, s17;
	s17 =	sand.u32 $0x1E0000, s23;
	s23 =	rddreg [dreg:$0xc]  }
0x19d: {  	s16 =	sadd.s32 $0x18000, s16;
	s4 =	sor.u32 s17, s5;
	s3 =	sadd.s32 s23, s3  }
0x19e: {  	s4 =	sor.u32 s11, s4;
	[sflag:s26] =	ssyncset.done $0x0;
	s3 =	sshrl.u32 s3, $0x3  }
0x19f: {  	s4 =	sshrl.u32 s4, $0x3;
	[sflag:s26] =	ssyncadd.s32 $0xFFFFFC00;
	s3 =	sadd.s32 s18, s3  }
0x1a0: {  	[hbm4b:s3+s28] =	stream.strided.scatter [tilespmem:s1], [sflag:$0x6], $0x400, s29, s28, $0x38;
	[tilespmem:$0x1FC50] =	vst v63  }
0x1a1: {  	p3 =	sne.s32 s16, $0xDC000;
	s4 =	sadd.s32 s2, s4  }
0x1a2: {  	[tilespmem:s21], [sflag:$0x3] =	stream.strided.gather [hbm4b:s4+s28], $0x400, s29, s28, $0x38;
	[tilespmem:$0x1FC50] =	vst v63  }
0x1a3: {  	s17 =	sadd.s32 $0xFFFFFF80, s13;
	s23 =	sadd.s32 $0xFFFFC000, s14;
	_ =	swait.ge [sflag:s9], $0x400  }
0x1a4: {  	s5 =	sand.u32 $0x300, s17;
	s17 =	sand.u32 $0x1E0000, s23;
	[sflag:s9] =	ssyncset.done $0x0  }
.Ltmp4:
0x1a5: {  	s5 =	sor.u32 s17, s5;
	[sflag:s9] =	ssyncadd.s32 $0xFFFFFC00;
	(pc) =	sbr.rel @p3 .LBB2_9-.Ltmp4, $4  }
0x1a6: {  	s25 =	sadd.s32 $0xC0000, s25;
	s17 =	sor.u32 s11, s5;
	_ =	swait.ge [sflag:s7], $0x400  }
0x1a7: {  	s19 =	sadd.s32 $0xC0000, s19;
	s23 =	sshrl.u32 s17, $0x3;
	[sflag:s7] =	ssyncset.done $0x0  }
0x1a8: {  	s12 =	smov.u32 s25;
	s3 =	sadd.s32 s2, s23;
	[sflag:s7] =	ssyncadd.s32 $0xFFFFFC00  }
0x1a9: {  	[tilespmem:s1], [sflag:$0x4] =	stream.indirect.gather [spmem:s6], $0x1, s29, s29, $0xb8;
	[tilespmem:$0x1FC50] =	vst v63  }
0x1aa: {  	_ =	swait.ge [sflag:s0], $0x400  }
0x1ab: {  	[sflag:s0] =	ssyncset.done $0x0  }
0x1ac: {  	[sflag:s0] =	ssyncadd.s32 $0xFFFFFC00  }
0x1ad: {  	[hbm4b:s19+s28] =	stream.strided.scatter [tilespmem:s24], [sflag:$0x7], $0x400, s29, s28, $0x38;
	[tilespmem:$0x1FC50] =	vst v63  }
0x1ae: {  	_ = 	snop  }
0x1af: {  	[tilespmem:s22], [sflag:$0x1] =	stream.strided.gather [hbm4b:s3+s28], $0x400, s29, s28, $0x38;
	[tilespmem:$0x1FC50] =	vst v63  }
0x1b0: {  	_ =	swait.ge [sflag:s20], $0x400  }
0x1b1: {  	[sflag:s20] =	ssyncset.done $0x0  }
0x1b2: {  	[sflag:s20] =	ssyncadd.s32 $0xFFFFFC00  }
0x1b3: {  	_ =	swait.ge [sflag:s8], $0x400  }
0x1b4: {  	[sflag:s8] =	ssyncset.done $0x0  }
0x1b5: {  	s16 =	sand.u32 $0x380, s13;
	s4 =	sand.u32 $0x1E0000, s14;
	[sflag:s8] =	ssyncadd.s32 $0xFFFFFC00  }
0x1b6: {  	[tilespmem:s24], [sflag:$0x5] =	stream.indirect.gather [spmem:s6], $0x1, s21, s29, $0xb8;
	[tilespmem:$0x1FC50] =	vst v63  }
0x1b7: {  	s3 =	sor.u32 s4, s16;
	_ =	swait.ge [sflag:s26], $0x400  }
0x1b8: {  	s3 =	sor.u32 s11, s3;
	[sflag:s26] =	ssyncset.done $0x0  }
0x1b9: {  	s3 =	sshrl.u32 s3, $0x3;
	[sflag:s26] =	ssyncadd.s32 $0xFFFFFC00  }
0x1ba: {  	[hbm4b:s12+s28] =	stream.strided.scatter [tilespmem:s1], [sflag:$0x6], $0x400, s29, s28, $0x38;
	[tilespmem:$0x1FC50] =	vst v63  }
0x1bb: {  	s3 =	sadd.s32 s2, s3  }
0x1bc: {  	[tilespmem:s29], [sflag:$0x2] =	stream.strided.gather [hbm4b:s3+s28], $0x400, s29, s28, $0x38;
	[tilespmem:$0x1FC50] =	vst v63  }
0x1bd: {  	_ =	swait.ge [sflag:s31], $0x400  }
0x1be: {  	[sflag:s31] =	ssyncset.done $0x0  }
0x1bf: {  	[sflag:s31] =	ssyncadd.s32 $0xFFFFFC00  }
0x1c0: {  	_ =	swait.ge [sflag:s7], $0x400  }
0x1c1: {  	[sflag:s7] =	ssyncset.done $0x0  }
0x1c2: {  	[sflag:s7] =	ssyncadd.s32 $0xFFFFFC00  }
0x1c3: {  	[tilespmem:s1], [sflag:$0x4] =	stream.indirect.gather [spmem:s6], $0x1, s22, s29, $0xb8;
	[tilespmem:$0x1FC50] =	vst v63  }
0x1c4: {  	_ =	swait.ge [sflag:s0], $0x400  }
0x1c5: {  	s17 =	sshrl.u32 s10, $0x3;
	[sflag:s0] =	ssyncset.done $0x0;
	s19 =	rddreg [dreg:$0x14]  }
0x1c6: {  	[sflag:s0] =	ssyncadd.s32 $0xFFFFFC00;
	s4 =	sadd.s32 s17, s19  }
0x1c7: {  	[hbm4b:s4+s28] =	stream.strided.scatter [tilespmem:s24], [sflag:$0x7], $0x400, s29, s28, $0x38;
	[tilespmem:$0x1FC50] =	vst v63  }
0x1c8: {  	_ =	swait.ge [sflag:s9], $0x400  }
0x1c9: {  	[sflag:s9] =	ssyncset.done $0x0  }
0x1ca: {  	[sflag:s9] =	ssyncadd.s32 $0xFFFFFC00  }
0x1cb: {  	_ =	swait.ge [sflag:s8], $0x400  }
0x1cc: {  	[sflag:s8] =	ssyncset.done $0x0  }
0x1cd: {  	[sflag:s8] =	ssyncadd.s32 $0xFFFFFC00  }
0x1ce: {  	[tilespmem:s24], [sflag:$0x5] =	stream.indirect.gather [spmem:s6], $0x1, s29, s29, $0xb8;
	[tilespmem:$0x1FC50] =	vst v63  }
0x1cf: {  	_ =	swait.ge [sflag:s26], $0x400  }
0x1d0: {  	[sflag:s26] =	ssyncset.done $0x0;
	s23 =	rddreg [dreg:$0x15]  }
0x1d1: {  	[sflag:s26] =	ssyncadd.s32 $0xFFFFFC00;
	s4 =	sadd.s32 s17, s23  }
0x1d2: {  	[hbm4b:s4+s28] =	stream.strided.scatter [tilespmem:s1], [sflag:$0x6], $0x400, s29, s28, $0x38;
	[tilespmem:$0x1FC50] =	vst v63  }
0x1d3: {  	_ =	swait.ge [sflag:s0], $0x400  }
0x1d4: {  	[sflag:s0] =	ssyncset.done $0x0;
	s25 =	rddreg [dreg:$0x16]  }
0x1d5: {  	[sflag:s0] =	ssyncadd.s32 $0xFFFFFC00;
	s3 =	sadd.s32 s17, s25  }
0x1d6: {  	[hbm4b:s3+s28] =	stream.strided.scatter [tilespmem:s24], [sflag:$0x7], $0x400, s29, s28, $0x38;
	[tilespmem:$0x1FC50] =	vst v63  }
0x1d7: {  	s3 =	sld [smem:$0x7F8];
	_ =	sdelay $0x2  }
0x1d8: {  	s3 =	sadd.s32 @p2 $0x3, s3  }
0x1d9: {  	s4 =	sshrl.u32 @p2 s3, $0x3  }
0x1da: {  	s3 =	sshll.u32 @p2 s3, $0x7;
	s4 =	smul.u32 @p2 $0x7A1400, s4  }
0x1db: {  	s5 =	simm.s32 @p2 $0x1;
	s3 =	sand.u32 @p2 $0x380, s3  }
0x1dc: {  	s10 =	simm.s32 @p2 $0x10;
	s13 =	simm.s32 @p2 $0x1C09;
	s3 =	sor.u32 @p2 s3, s4  }
0x1dd: {  	s12 =	simm.s32 @p2 $0x80;
	s4 =	rddreg [dreg:$0x0];
	s3 =	sshrl.u32 @p2 s3, $0x3  }
0x1de: {  	s23 =	sadd.s32 $0x1, s30;
	s3 =	sadd.s32 @p2 s4, s3;
	s4 =	sshrl.u32 @p2 s6, $0x3  }
0x1df: {  	[spmem:s4@s10], [sflag:s13] =	dma.strided @p2 [hbm:s3@s12], $0x1E850, s5, $0x10   }
0x1e0: {  	p2 =	sne.s32 s23, $0x10  }
.Ltmp5:
0x1e1: {  	s4 =	sld [smem:$0x7F6];
	(pc) =	sbr.rel @p2 .LBB2_2-.Ltmp5, $2  }
0x1e2: {  	s3 =	sld [smem:$0x7F7];
	_ =	sdelay $0x2  }
0x1e3: {  	s24 =	rddreg [dreg:$0x3];
	s4 =	sadd.s32 $0x8000, s4;
	s3 =	sadd.s32 $0x1, s3  }
0x1e4: {  	_ =	swait.ge [sflag:s7], $0x400  }
0x1e5: {  	[sflag:s7] =	ssyncset.done $0x0  }
0x1e6: {  	[sflag:s7] =	ssyncadd.s32 $0xFFFFFC00  }
0x1e7: {  	_ =	swait.ge [sflag:s8], $0x400  }
0x1e8: {  	s4 =	sld [smem:$0x7FD];
	_ =	sdelay $0x2  }
0x1e9: {  	s3 =	rddreg [dreg:$0x17];
	s4 =	sadd.s32 $0x1, s4  }
0x1ea: {  	p2 =	sne.s32 s4, s3  }
.Ltmp6:
0x1eb: {  	_ = 	snop;
	(pc) =	sbr.rel @p2 .LBB2_1-.Ltmp6, $3  }
0x1ec: {  	_ =	sdelay $0x1  }
0x1ed: {  	[sflag:s8] =	ssyncset.done $0x0  }
0x1ee: {  	[sflag:s8] =	ssyncadd.s32 $0xFFFFFC00  }
0x1ef: {  	_ =	sfence.sel $0x180000  }
0x1f0: {  	[bflag:$0x0] =	sbarrier.arrive $0xFFFF  }
0x1f1: {  	_ =	strace $0x90000047  }
0x1f2: {  	[bflag:$0x2] =	sbarrier.arrive $0xFFFF  }
0x1f3: {  	s0 =	rddreg [dreg:$0x5]  }
0x1f4: {  	s0 =	sadd.s32 @!p0 $0x100000, s0  }
0x1f5: {  	[sflag:s0] =	ssyncadd.tile.s32 @!p0 $0x1;
	_ =	shalt  }
.Lfunc_end2:
_tile_overlayer_lowered:
.L_overlay_start_2:
0x1f6: {  	(tag) =	ssettag $0x2  }
0x1f7: {  	s0 =	rddreg [dreg:$0x0];
	s2 =	stileid.u32  }
0x1f8: {  	s1 =	rddreg [dreg:$0x1];
	p0 =	sne.s32 s2, $0x0  }
0x1f9: {  	s3 =	rddreg [dreg:$0x2];
	[bflag:$0x3] =	sbarrier.arrive $0xFFFF;
	s2 =	simm.s32 @!p0 $0x1C0A  }
0x1fa: {  	[timem:s3], [sflag:s2] =	dma.local @!p0 [hbm:s0], s1  }
0x1fb: {  	s0 =	simm.s32 @!p0 $0xA  }
0x1fc: {  	_ =	swait.ge @!p0 [sflag:s0], s1  }
0x1fd: {  	s1 =	ssub.s32 @!p0 $0x0, s1;
	[sflag:s0] =	ssyncset.done @!p0 $0x0  }
0x1fe: {  	[sflag:s0] =	ssyncadd.s32 @!p0 s1  }
0x1ff: {  	[bflag:$0x3] =	sbarrier.arrive $0xFFFF  }
0x200: {  	_ =	shalt  }

</sc_bundles>
